<compile_context>
chip_gen: v7x
topology: tpu7x:2x2x1
jax: 0.10.2.dev20260603
libtpu: 0.0.44.dev20260713+nightly
codegen_flags: <defaults>
</compile_context>

<pallas_src>
import functools

import jax
import jax.numpy as jnp
from jax import lax
from jax.experimental import pallas as pl
from jax.experimental.pallas import tpu as pltpu
from jax.experimental.pallas import tpu_sc as plsc

N = 10000
E = 320000
D = 128
NC, NS = 2, 16
NW = NC * NS
CHUNK = 128
NCHUNKS = -(-E // (NW * CHUNK))
E_PAD = NW * NCHUNKS * CHUNK
N_PAD = 10240
ROWS_PER_TILE = N_PAD // NS
B_OUT = 1024
B_PER_W = B_OUT // NW

_MESH = plsc.VectorSubcoreMesh(core_axis_name="c", subcore_axis_name="s",
                               num_cores=NC, num_subcores=NS)


def _sc_layer_body(with_deg, *refs):
    if with_deg:
        (src_r, dst_r, feats, zeros, zeros1, agg_out, deg_out,
         src_v, dst_v, rows_v, deg_v, agg_sh, sem_g) = refs
    else:
        (src_r, dst_r, feats, zeros, agg_out,
         src_v, dst_v, rows_v, agg_sh, sem_g) = refs
    c = lax.axis_index("c")
    s = lax.axis_index("s")
    wid = s * NC + c
    r0 = s * ROWS_PER_TILE
    pltpu.sync_copy(zeros.at[pl.ds(r0, ROWS_PER_TILE)],
                    agg_sh.at[pl.ds(r0, ROWS_PER_TILE)])
    if with_deg:
        pltpu.sync_copy(zeros1, deg_v)
    plsc.subcore_barrier()
    ones16 = jnp.full((16,), 1.0, jnp.float32)

    def step(j, carry):
        pltpu.sync_copy(src_r.at[wid, j], src_v)
        pltpu.sync_copy(dst_r.at[wid, j], dst_v)
        pltpu.async_copy(feats.at[src_v], rows_v, sem_g).wait()
        pltpu.sync_copy(rows_v, agg_sh.at[dst_v], add=True)
        if with_deg:
            for k in range(CHUNK // 16):
                plsc.addupdate_scatter(deg_v, [dst_v[pl.ds(k * 16, 16)]],
                                       ones16)
        return carry

    lax.fori_loop(0, NCHUNKS, step, 0)
    plsc.subcore_barrier()
    pltpu.sync_copy(agg_sh.at[pl.ds(r0, ROWS_PER_TILE)],
                    agg_out.at[c, pl.ds(r0, ROWS_PER_TILE)])
    if with_deg:
        pltpu.sync_copy(deg_v, deg_out.at[wid])


def _make_sc_layer(with_deg):
    out_type = [jax.ShapeDtypeStruct((NC, N_PAD, D), jnp.float32)]
    scratch = [
        pltpu.VMEM((CHUNK,), jnp.int32),
        pltpu.VMEM((CHUNK,), jnp.int32),
        pltpu.VMEM((CHUNK, D), jnp.float32),
    ]
    if with_deg:
        out_type.append(jax.ShapeDtypeStruct((NW, N_PAD), jnp.float32))
        scratch.append(pltpu.VMEM((N_PAD,), jnp.float32))
    scratch.append(pltpu.VMEM_SHARED((N_PAD, D), jnp.float32))
    scratch.append(pltpu.SemaphoreType.DMA)
    return pl.kernel(
        functools.partial(_sc_layer_body, with_deg),
        out_type=tuple(out_type),
        mesh=_MESH,
        scratch_types=scratch,
        compiler_params=pltpu.CompilerParams(needs_layout_passes=False),
    )


_sc_layer1 = _make_sc_layer(True)
_sc_layer2 = _make_sc_layer(False)


def _gather_body(feats, idx, out, idx_v, rows_v, sem):
    c = lax.axis_index("c")
    s = lax.axis_index("s")
    base = (s * NC + c) * B_PER_W
    pltpu.sync_copy(idx.at[pl.ds(base, B_PER_W)], idx_v)
    pltpu.async_copy(feats.at[idx_v], rows_v, sem).wait()
    pltpu.sync_copy(rows_v, out.at[pl.ds(base, B_PER_W)])


_sc_gather = pl.kernel(
    _gather_body,
    out_type=jax.ShapeDtypeStruct((B_OUT, D), jnp.float32),
    mesh=_MESH,
    scratch_types=[
        pltpu.VMEM((B_PER_W,), jnp.int32),
        pltpu.VMEM((B_PER_W, D), jnp.float32),
        pltpu.SemaphoreType.DMA,
    ],
)


def _dense_body(agg_ref, feats_ref, deg_ref, w_ref, b_ref, g_ref, be_ref,
                out_ref):
    d = jnp.sum(deg_ref[...], axis=0)[:, None]
    x = (agg_ref[0] + agg_ref[1] + feats_ref[...]) / (d + 1.0)
    h = jnp.dot(x, w_ref[...], preferred_element_type=jnp.float32) + b_ref[...]
    mu = jnp.mean(h, axis=1, keepdims=True)
    var = jnp.mean((h - mu) * (h - mu), axis=1, keepdims=True)
    h = (h - mu) * lax.rsqrt(var + 1e-5) * g_ref[...] + be_ref[...]
    out_ref[...] = jnp.where(h > 0, h, jnp.exp(h) - 1.0)


_DENSE_BLK = 1024


def _dense(agg, feats, deg, W, b, g, be):
    grid = (N_PAD // _DENSE_BLK,)
    return pl.pallas_call(
        _dense_body,
        grid=grid,
        in_specs=[
            pl.BlockSpec((NC, _DENSE_BLK, D), lambda i: (0, i, 0)),
            pl.BlockSpec((_DENSE_BLK, D), lambda i: (i, 0)),
            pl.BlockSpec((NW, _DENSE_BLK), lambda i: (0, i)),
            pl.BlockSpec((D, D), lambda i: (0, 0)),
            pl.BlockSpec((1, D), lambda i: (0, 0)),
            pl.BlockSpec((1, D), lambda i: (0, 0)),
            pl.BlockSpec((1, D), lambda i: (0, 0)),
        ],
        out_specs=pl.BlockSpec((_DENSE_BLK, D), lambda i: (i, 0)),
        out_shape=jax.ShapeDtypeStruct((N_PAD, D), jnp.float32),
    )(agg, feats, deg, W, b.reshape(1, D), g.reshape(1, D), be.reshape(1, D))


def kernel(embedding, W0, b0, g0, be0, W1, b1, g1, be1, edge_index, index):
    src = edge_index[0].astype(jnp.int32)
    dst = edge_index[1].astype(jnp.int32)
    pad = jnp.full((E_PAD - E,), N, jnp.int32)
    src_r = jnp.concatenate([src, pad]).reshape(NW, NCHUNKS, CHUNK)
    dst_r = jnp.concatenate([dst, pad]).reshape(NW, NCHUNKS, CHUNK)
    feats0 = jnp.pad(embedding, ((0, N_PAD - N), (0, 0)))
    zeros = jnp.zeros((N_PAD, D), jnp.float32)
    zeros1 = jnp.zeros((N_PAD,), jnp.float32)

    agg1, deg = _sc_layer1(src_r, dst_r, feats0, zeros, zeros1)
    f1 = _dense(agg1, feats0, deg, W0, b0, g0, be0)
    agg2, = _sc_layer2(src_r, dst_r, f1, zeros)
    f2 = _dense(agg2, f1, deg, W1, b1, g1, be1)
    return _sc_gather(f2, index.astype(jnp.int32))

# --- scband reference (transcript-rebuilt; emitter-appended) ---
"""Pipeline reference for scband-graph-sageconv-25305947308734 (READ-ONLY COPY).

The authoritative reference and input builder live on the scoring server;
editing this copy changes nothing except your own understanding.
"""

import jax, jax.numpy as jnp
import numpy as np

N = 10000
E = 320000
D = 128

def setup_inputs(seed: int = 0) -> dict:
    key = jax.random.key(seed)
    ks = jax.random.split(key, 12)
    # learned node embedding (kaiming normal: std = sqrt(2/fan_in))
    embedding = jax.random.normal(ks[0], (N, D), dtype=jnp.float32) * np.sqrt(2.0 / D)
    # graph structure
    edge_index = jax.random.randint(ks[1], (2, E), 0, N, dtype=jnp.int64)
    index = jax.random.randint(ks[2], (1024,), 0, N, dtype=jnp.int64)
    # SAGEConv('gcn') params per layer: fc_neigh weight (no per-linear bias in DGL; separate bias)
    s = 1.0 / np.sqrt(D)
    W0 = jax.random.uniform(ks[3], (D, D), dtype=jnp.float32, minval=-s, maxval=s)
    b0 = jnp.zeros((D,), dtype=jnp.float32)
    W1 = jax.random.uniform(ks[4], (D, D), dtype=jnp.float32, minval=-s, maxval=s)
    b1 = jnp.zeros((D,), dtype=jnp.float32)
    # LayerNorm params per layer
    g0 = jnp.ones((D,), dtype=jnp.float32)
    be0 = jnp.zeros((D,), dtype=jnp.float32)
    g1 = jnp.ones((D,), dtype=jnp.float32)
    be1 = jnp.zeros((D,), dtype=jnp.float32)
    return {"embedding": embedding, "W0": W0, "b0": b0, "g0": g0, "be0": be0,
            "W1": W1, "b1": b1, "g1": g1, "be1": be1,
            "edge_index": edge_index, "index": index}

def _layernorm(x, g, b, eps=1e-5):
    mu = jnp.mean(x, axis=-1, keepdims=True)
    var = jnp.var(x, axis=-1, keepdims=True)
    return (x - mu) / jnp.sqrt(var + eps) * g + b

def _sage_gcn_layer(feats, W, b, g, be, src, dst, deg):
    # DGL SAGEConv aggregator_type='gcn':
    # h_neigh = (sum_{j in N(i)} h_j + h_i) / (in_deg(i) + 1); out = h_neigh @ W + bias
    msg = jnp.take(feats, src, axis=0)
    agg = jnp.zeros_like(feats).at[dst].add(msg)
    h = (agg + feats) / (deg + 1.0)[:, None]
    h = h @ W + b
    h = _layernorm(h, g, be)
    return jax.nn.elu(h)

def reference(embedding, W0, b0, g0, be0, W1, b1, g1, be1, edge_index, index):
    src = edge_index[0]
    dst = edge_index[1]
    deg = jnp.zeros((embedding.shape[0],), dtype=jnp.float32).at[dst].add(1.0)
    feats = embedding
    feats = _sage_gcn_layer(feats, W0, b0, g0, be0, src, dst, deg)
    feats = _sage_gcn_layer(feats, W1, b1, g1, be1, src, dst, deg)
    embeds = jnp.take(feats, index, axis=0)
    return embeds

if __name__ == "__main__":
    import jax
    _d = setup_inputs()
    print(jax.jit(kernel)(*tuple(_d.values())))

</pallas_src>

<mosaic_0001>
#map = affine_map<(d0, d1) -> (0, 0, 0)>
#map1 = affine_map<(d0, d1) -> (0, 0)>
#map2 = affine_map<(d0, d1) -> (0)>
module attributes {stable_mosaic.version = 14 : i64} {
  func.func @_sc_layer_body(%arg0: i32, %arg1: i32, %arg2: memref<32x79x128xi32, #tpu.memory_space<hbm>>, %arg3: memref<32x79x128xi32, #tpu.memory_space<hbm>>, %arg4: memref<10240x128xf32, #tpu.memory_space<hbm>>, %arg5: memref<10240x128xf32, #tpu.memory_space<hbm>>, %arg6: memref<10240xf32, #tpu.memory_space<hbm>>, %arg7: memref<2x10240x128xf32, #tpu.memory_space<hbm>>, %arg8: memref<32x10240xf32, #tpu.memory_space<hbm>>, %arg9: memref<128xi32, #tpu.memory_space<vmem>>, %arg10: memref<128xi32, #tpu.memory_space<vmem>>, %arg11: memref<128x128xf32, #tpu.memory_space<vmem>>, %arg12: memref<10240xf32, #tpu.memory_space<vmem>>, %arg13: memref<10240x128xf32, #tpu.memory_space<vmem_shared>>, %arg14: memref<!tpu.dma_semaphore, #tpu.memory_space<semaphore_mem>>) attributes {dimension_semantics = [#tpu.dimension_semantics<core_parallel>, #tpu.dimension_semantics<subcore_parallel>], iteration_bounds = array<i64: 2, 16>, scalar_prefetch = 0 : i64, scratch_operands = 6 : i64, tpu.core_type = #tpu.core_type<sc_vector_subcore>, window_params = [{transform_indices = #map}, {transform_indices = #map}, {transform_indices = #map1}, {transform_indices = #map1}, {transform_indices = #map2}, {transform_indices = #map}, {transform_indices = #map1}]} {
    %mul3A = arith.constant 2 : i32
    %mul3A_0 = arith.muli %arg1, %mul3A : i32
    %add3A = arith.addi %mul3A_0, %arg0 : i32
    %mul3A_1 = arith.constant 640 : i32
    %mul3A_2 = arith.muli %arg1, %mul3A_1 : i32
    "tpu.region"() ({
      %run_scoped3A = tpu.sem_alloc : memref<!tpu.dma_semaphore, #tpu.memory_space<semaphore_mem>>
      %dma_start3A = arith.constant 0 : i32
      %dma_start3A_10 = tpu.memref_slice %arg13[%mul3A_2, %dma_start3A] : memref<10240x128xf32, #tpu.memory_space<vmem_shared>> -> memref<640x128xf32, #tpu.memory_space<vmem_shared>>
      %dma_start3A_11 = arith.constant 0 : i32
      %dma_start3A_12 = tpu.memref_slice %arg5[%mul3A_2, %dma_start3A_11] : memref<10240x128xf32, #tpu.memory_space<hbm>> -> memref<640x128xf32, #tpu.memory_space<hbm>>
      tpu.enqueue_dma source(%dma_start3A_12 : memref<640x128xf32, #tpu.memory_space<hbm>>) target(%dma_start3A_10 : memref<640x128xf32, #tpu.memory_space<vmem_shared>>) target_semaphore(%run_scoped3A : memref<!tpu.dma_semaphore, #tpu.memory_space<semaphore_mem>>)
      %dma_wait3A = arith.constant 0 : i32
      %dma_wait3A_13 = tpu.memref_slice %arg13[%mul3A_2, %dma_wait3A] : memref<10240x128xf32, #tpu.memory_space<vmem_shared>> -> memref<640x128xf32, #tpu.memory_space<vmem_shared>>
      %dma_wait3A_14 = arith.constant 0 : i32
      %dma_wait3A_15 = tpu.memref_slice %arg5[%mul3A_2, %dma_wait3A_14] : memref<10240x128xf32, #tpu.memory_space<hbm>> -> memref<640x128xf32, #tpu.memory_space<hbm>>
      tpu.wait_dma2 semaphore(%run_scoped3A : memref<!tpu.dma_semaphore, #tpu.memory_space<semaphore_mem>>) src(%dma_wait3A_15 : memref<640x128xf32, #tpu.memory_space<hbm>>) dst(%dma_wait3A_13 : memref<640x128xf32, #tpu.memory_space<vmem_shared>>)
      tpu.yield
    }) : () -> ()
    "tpu.region"() ({
      %run_scoped3A = tpu.sem_alloc : memref<!tpu.dma_semaphore, #tpu.memory_space<semaphore_mem>>
      tpu.enqueue_dma source(%arg6 : memref<10240xf32, #tpu.memory_space<hbm>>) target(%arg12 : memref<10240xf32, #tpu.memory_space<vmem>>) target_semaphore(%run_scoped3A : memref<!tpu.dma_semaphore, #tpu.memory_space<semaphore_mem>>)
      tpu.wait_dma2 semaphore(%run_scoped3A : memref<!tpu.dma_semaphore, #tpu.memory_space<semaphore_mem>>) src(%arg6 : memref<10240xf32, #tpu.memory_space<hbm>>) dst(%arg12 : memref<10240xf32, #tpu.memory_space<vmem>>)
      tpu.yield
    }) : () -> ()
    %barrier3A = arith.constant 0 : index
    tpu.barrier barrier_id(%barrier3A)
    %broadcast_in_dim3A = arith.constant 1.000000e+00 : f32
    %broadcast_in_dim3A_3 = vector.broadcast %broadcast_in_dim3A : f32 to vector<16xf32>
    %scan3A = arith.constant 0 : i32
    %scan3A_4 = arith.constant 0 : i32
    %scan3A_5 = arith.constant 79 : i32
    %scan3A_6 = arith.addi %scan3A_4, %scan3A_5 : i32
    %scan3A_7 = arith.constant 1 : i32
    scf.for %scan3A_10 = %scan3A_4 to %scan3A_6 step %scan3A_7  : i32 {
      "tpu.region"() ({
        %run_scoped3A = tpu.sem_alloc : memref<!tpu.dma_semaphore, #tpu.memory_space<semaphore_mem>>
        %dma_start3A_30 = arith.constant 0 : i32
        %dma_start3A_31 = tpu.memref_slice %arg2[%add3A, %scan3A_10, %dma_start3A_30] : memref<32x79x128xi32, #tpu.memory_space<hbm>> -> memref<1x1x128xi32, #tpu.memory_space<hbm>>
        %dma_start3A_32 = tpu.memref_squeeze %dma_start3A_31 : memref<1x1x128xi32, #tpu.memory_space<hbm>> -> memref<128xi32, #tpu.memory_space<hbm>>
        %dma_start3A_33 = arith.constant 0 : i32
        %dma_start3A_34 = tpu.memref_slice %arg2[%add3A, %scan3A_10, %dma_start3A_33] : memref<32x79x128xi32, #tpu.memory_space<hbm>> -> memref<1x1x128xi32, #tpu.memory_space<hbm>>
        %dma_start3A_35 = tpu.memref_squeeze %dma_start3A_34 : memref<1x1x128xi32, #tpu.memory_space<hbm>> -> memref<128xi32, #tpu.memory_space<hbm>>
        tpu.enqueue_dma source(%dma_start3A_35 : memref<128xi32, #tpu.memory_space<hbm>>) target(%arg9 : memref<128xi32, #tpu.memory_space<vmem>>) target_semaphore(%run_scoped3A : memref<!tpu.dma_semaphore, #tpu.memory_space<semaphore_mem>>)
        %dma_wait3A_36 = arith.constant 0 : i32
        %dma_wait3A_37 = tpu.memref_slice %arg2[%add3A, %scan3A_10, %dma_wait3A_36] : memref<32x79x128xi32, #tpu.memory_space<hbm>> -> memref<1x1x128xi32, #tpu.memory_space<hbm>>
        %dma_wait3A_38 = tpu.memref_squeeze %dma_wait3A_37 : memref<1x1x128xi32, #tpu.memory_space<hbm>> -> memref<128xi32, #tpu.memory_space<hbm>>
        %dma_wait3A_39 = arith.constant 0 : i32
        %dma_wait3A_40 = tpu.memref_slice %arg2[%add3A, %scan3A_10, %dma_wait3A_39] : memref<32x79x128xi32, #tpu.memory_space<hbm>> -> memref<1x1x128xi32, #tpu.memory_space<hbm>>
        %dma_wait3A_41 = tpu.memref_squeeze %dma_wait3A_40 : memref<1x1x128xi32, #tpu.memory_space<hbm>> -> memref<128xi32, #tpu.memory_space<hbm>>
        tpu.wait_dma2 semaphore(%run_scoped3A : memref<!tpu.dma_semaphore, #tpu.memory_space<semaphore_mem>>) src(%dma_wait3A_41 : memref<128xi32, #tpu.memory_space<hbm>>) dst(%arg9 : memref<128xi32, #tpu.memory_space<vmem>>)
        tpu.yield
      }) : () -> ()
      "tpu.region"() ({
        %run_scoped3A = tpu.sem_alloc : memref<!tpu.dma_semaphore, #tpu.memory_space<semaphore_mem>>
        %dma_start3A_30 = arith.constant 0 : i32
        %dma_start3A_31 = tpu.memref_slice %arg3[%add3A, %scan3A_10, %dma_start3A_30] : memref<32x79x128xi32, #tpu.memory_space<hbm>> -> memref<1x1x128xi32, #tpu.memory_space<hbm>>
        %dma_start3A_32 = tpu.memref_squeeze %dma_start3A_31 : memref<1x1x128xi32, #tpu.memory_space<hbm>> -> memref<128xi32, #tpu.memory_space<hbm>>
        %dma_start3A_33 = arith.constant 0 : i32
        %dma_start3A_34 = tpu.memref_slice %arg3[%add3A, %scan3A_10, %dma_start3A_33] : memref<32x79x128xi32, #tpu.memory_space<hbm>> -> memref<1x1x128xi32, #tpu.memory_space<hbm>>
        %dma_start3A_35 = tpu.memref_squeeze %dma_start3A_34 : memref<1x1x128xi32, #tpu.memory_space<hbm>> -> memref<128xi32, #tpu.memory_space<hbm>>
        tpu.enqueue_dma source(%dma_start3A_35 : memref<128xi32, #tpu.memory_space<hbm>>) target(%arg10 : memref<128xi32, #tpu.memory_space<vmem>>) target_semaphore(%run_scoped3A : memref<!tpu.dma_semaphore, #tpu.memory_space<semaphore_mem>>)
        %dma_wait3A_36 = arith.constant 0 : i32
        %dma_wait3A_37 = tpu.memref_slice %arg3[%add3A, %scan3A_10, %dma_wait3A_36] : memref<32x79x128xi32, #tpu.memory_space<hbm>> -> memref<1x1x128xi32, #tpu.memory_space<hbm>>
        %dma_wait3A_38 = tpu.memref_squeeze %dma_wait3A_37 : memref<1x1x128xi32, #tpu.memory_space<hbm>> -> memref<128xi32, #tpu.memory_space<hbm>>
        %dma_wait3A_39 = arith.constant 0 : i32
        %dma_wait3A_40 = tpu.memref_slice %arg3[%add3A, %scan3A_10, %dma_wait3A_39] : memref<32x79x128xi32, #tpu.memory_space<hbm>> -> memref<1x1x128xi32, #tpu.memory_space<hbm>>
        %dma_wait3A_41 = tpu.memref_squeeze %dma_wait3A_40 : memref<1x1x128xi32, #tpu.memory_space<hbm>> -> memref<128xi32, #tpu.memory_space<hbm>>
        tpu.wait_dma2 semaphore(%run_scoped3A : memref<!tpu.dma_semaphore, #tpu.memory_space<semaphore_mem>>) src(%dma_wait3A_41 : memref<128xi32, #tpu.memory_space<hbm>>) dst(%arg10 : memref<128xi32, #tpu.memory_space<vmem>>)
        tpu.yield
      }) : () -> ()
      %dma_start3A = arith.constant 0 : i32
      %dma_start3A_11 = arith.constant 0 : i32
      %dma_start3A_12 = tpu.memref_slice %arg4[%dma_start3A, %dma_start3A_11] : memref<10240x128xf32, #tpu.memory_space<hbm>> -> memref<10240x128xf32, #tpu.memory_space<hbm>>
      tpu.enqueue_indirect_dma source(%dma_start3A_12 : memref<10240x128xf32, #tpu.memory_space<hbm>>) target(%arg11 : memref<128x128xf32, #tpu.memory_space<vmem>>) offsets(%arg9 : memref<128xi32, #tpu.memory_space<vmem>>) semaphore(%arg14 : memref<!tpu.dma_semaphore, #tpu.memory_space<semaphore_mem>>)
      %dma_wait3A = arith.constant 0 : i32
      %dma_wait3A_13 = arith.constant 0 : i32
      %dma_wait3A_14 = tpu.memref_slice %arg4[%dma_wait3A, %dma_wait3A_13] : memref<10240x128xf32, #tpu.memory_space<hbm>> -> memref<10240x128xf32, #tpu.memory_space<hbm>>
      tpu.wait_indirect_dma semaphore(%arg14 : memref<!tpu.dma_semaphore, #tpu.memory_space<semaphore_mem>>) src(%dma_wait3A_14 : memref<10240x128xf32, #tpu.memory_space<hbm>>) dst(%arg11 : memref<128x128xf32, #tpu.memory_space<vmem>>)
      "tpu.region"() ({
        %run_scoped3A = tpu.sem_alloc : memref<!tpu.dma_semaphore, #tpu.memory_space<semaphore_mem>>
        %dma_start3A_30 = arith.constant 0 : i32
        %dma_start3A_31 = arith.constant 0 : i32
        %dma_start3A_32 = tpu.memref_slice %arg13[%dma_start3A_30, %dma_start3A_31] : memref<10240x128xf32, #tpu.memory_space<vmem_shared>> -> memref<10240x128xf32, #tpu.memory_space<vmem_shared>>
        tpu.enqueue_indirect_dma source(%arg11 : memref<128x128xf32, #tpu.memory_space<vmem>>) target(%dma_start3A_32 : memref<10240x128xf32, #tpu.memory_space<vmem_shared>>) offsets(%arg10 : memref<128xi32, #tpu.memory_space<vmem>>) semaphore(%run_scoped3A : memref<!tpu.dma_semaphore, #tpu.memory_space<semaphore_mem>>) {add = true}
        %dma_wait3A_33 = arith.constant 0 : i32
        %dma_wait3A_34 = arith.constant 0 : i32
        %dma_wait3A_35 = tpu.memref_slice %arg13[%dma_wait3A_33, %dma_wait3A_34] : memref<10240x128xf32, #tpu.memory_space<vmem_shared>> -> memref<10240x128xf32, #tpu.memory_space<vmem_shared>>
        tpu.wait_indirect_dma semaphore(%run_scoped3A : memref<!tpu.dma_semaphore, #tpu.memory_space<semaphore_mem>>) src(%arg11 : memref<128x128xf32, #tpu.memory_space<vmem>>) dst(%dma_wait3A_35 : memref<10240x128xf32, #tpu.memory_space<vmem_shared>>)
        tpu.yield
      }) : () -> ()
      %get3A = arith.constant 0 : index
      %get3A_15 = tpu.vector_load %arg10[%get3A] {strides = array<i32>} : memref<128xi32, #tpu.memory_space<vmem>>, vector<16xi32>,
      tpu.vector_store_idx %arg12[%get3A_15], %broadcast_in_dim3A_3 {add = true} : memref<10240xf32, #tpu.memory_space<vmem>>[vector<16xi32>], vector<16xf32>,
      %get3A_16 = arith.constant 16 : index
      %get3A_17 = tpu.vector_load %arg10[%get3A_16] {strides = array<i32>} : memref<128xi32, #tpu.memory_space<vmem>>, vector<16xi32>,
      tpu.vector_store_idx %arg12[%get3A_17], %broadcast_in_dim3A_3 {add = true} : memref<10240xf32, #tpu.memory_space<vmem>>[vector<16xi32>], vector<16xf32>,
      %get3A_18 = arith.constant 32 : index
      %get3A_19 = tpu.vector_load %arg10[%get3A_18] {strides = array<i32>} : memref<128xi32, #tpu.memory_space<vmem>>, vector<16xi32>,
      tpu.vector_store_idx %arg12[%get3A_19], %broadcast_in_dim3A_3 {add = true} : memref<10240xf32, #tpu.memory_space<vmem>>[vector<16xi32>], vector<16xf32>,
      %get3A_20 = arith.constant 48 : index
      %get3A_21 = tpu.vector_load %arg10[%get3A_20] {strides = array<i32>} : memref<128xi32, #tpu.memory_space<vmem>>, vector<16xi32>,
      tpu.vector_store_idx %arg12[%get3A_21], %broadcast_in_dim3A_3 {add = true} : memref<10240xf32, #tpu.memory_space<vmem>>[vector<16xi32>], vector<16xf32>,
      %get3A_22 = arith.constant 64 : index
      %get3A_23 = tpu.vector_load %arg10[%get3A_22] {strides = array<i32>} : memref<128xi32, #tpu.memory_space<vmem>>, vector<16xi32>,
      tpu.vector_store_idx %arg12[%get3A_23], %broadcast_in_dim3A_3 {add = true} : memref<10240xf32, #tpu.memory_space<vmem>>[vector<16xi32>], vector<16xf32>,
      %get3A_24 = arith.constant 80 : index
      %get3A_25 = tpu.vector_load %arg10[%get3A_24] {strides = array<i32>} : memref<128xi32, #tpu.memory_space<vmem>>, vector<16xi32>,
      tpu.vector_store_idx %arg12[%get3A_25], %broadcast_in_dim3A_3 {add = true} : memref<10240xf32, #tpu.memory_space<vmem>>[vector<16xi32>], vector<16xf32>,
      %get3A_26 = arith.constant 96 : index
      %get3A_27 = tpu.vector_load %arg10[%get3A_26] {strides = array<i32>} : memref<128xi32, #tpu.memory_space<vmem>>, vector<16xi32>,
      tpu.vector_store_idx %arg12[%get3A_27], %broadcast_in_dim3A_3 {add = true} : memref<10240xf32, #tpu.memory_space<vmem>>[vector<16xi32>], vector<16xf32>,
      %get3A_28 = arith.constant 112 : index
      %get3A_29 = tpu.vector_load %arg10[%get3A_28] {strides = array<i32>} : memref<128xi32, #tpu.memory_space<vmem>>, vector<16xi32>,
      tpu.vector_store_idx %arg12[%get3A_29], %broadcast_in_dim3A_3 {add = true} : memref<10240xf32, #tpu.memory_space<vmem>>[vector<16xi32>], vector<16xf32>,
    }
    %scan3A_8 = arith.constant 79 : i32
    %barrier3A_9 = arith.constant 0 : index
    tpu.barrier barrier_id(%barrier3A_9)
    "tpu.region"() ({
      %run_scoped3A = tpu.sem_alloc : memref<!tpu.dma_semaphore, #tpu.memory_space<semaphore_mem>>
      %dma_start3A = arith.constant 0 : i32
      %dma_start3A_10 = tpu.memref_slice %arg7[%arg0, %mul3A_2, %dma_start3A] : memref<2x10240x128xf32, #tpu.memory_space<hbm>> -> memref<1x640x128xf32, #tpu.memory_space<hbm>>
      %dma_start3A_11 = tpu.memref_squeeze %dma_start3A_10 : memref<1x640x128xf32, #tpu.memory_space<hbm>> -> memref<640x128xf32, #tpu.memory_space<hbm>>
      %dma_start3A_12 = arith.constant 0 : i32
      %dma_start3A_13 = tpu.memref_slice %arg13[%mul3A_2, %dma_start3A_12] : memref<10240x128xf32, #tpu.memory_space<vmem_shared>> -> memref<640x128xf32, #tpu.memory_space<vmem_shared>>
      tpu.enqueue_dma source(%dma_start3A_13 : memref<640x128xf32, #tpu.memory_space<vmem_shared>>) target(%dma_start3A_11 : memref<640x128xf32, #tpu.memory_space<hbm>>) target_semaphore(%run_scoped3A : memref<!tpu.dma_semaphore, #tpu.memory_space<semaphore_mem>>)
      %dma_wait3A = arith.constant 0 : i32
      %dma_wait3A_14 = tpu.memref_slice %arg7[%arg0, %mul3A_2, %dma_wait3A] : memref<2x10240x128xf32, #tpu.memory_space<hbm>> -> memref<1x640x128xf32, #tpu.memory_space<hbm>>
      %dma_wait3A_15 = tpu.memref_squeeze %dma_wait3A_14 : memref<1x640x128xf32, #tpu.memory_space<hbm>> -> memref<640x128xf32, #tpu.memory_space<hbm>>
      %dma_wait3A_16 = arith.constant 0 : i32
      %dma_wait3A_17 = tpu.memref_slice %arg13[%mul3A_2, %dma_wait3A_16] : memref<10240x128xf32, #tpu.memory_space<vmem_shared>> -> memref<640x128xf32, #tpu.memory_space<vmem_shared>>
      tpu.wait_dma2 semaphore(%run_scoped3A : memref<!tpu.dma_semaphore, #tpu.memory_space<semaphore_mem>>) src(%dma_wait3A_17 : memref<640x128xf32, #tpu.memory_space<vmem_shared>>) dst(%dma_wait3A_15 : memref<640x128xf32, #tpu.memory_space<hbm>>)
      tpu.yield
    }) : () -> ()
    "tpu.region"() ({
      %run_scoped3A = tpu.sem_alloc : memref<!tpu.dma_semaphore, #tpu.memory_space<semaphore_mem>>
      %dma_start3A = arith.constant 0 : i32
      %dma_start3A_10 = tpu.memref_slice %arg8[%add3A, %dma_start3A] : memref<32x10240xf32, #tpu.memory_space<hbm>> -> memref<1x10240xf32, #tpu.memory_space<hbm>>
      %dma_start3A_11 = tpu.memref_squeeze %dma_start3A_10 : memref<1x10240xf32, #tpu.memory_space<hbm>> -> memref<10240xf32, #tpu.memory_space<hbm>>
      %dma_start3A_12 = arith.constant 0 : i32
      %dma_start3A_13 = tpu.memref_slice %arg8[%add3A, %dma_start3A_12] : memref<32x10240xf32, #tpu.memory_space<hbm>> -> memref<1x10240xf32, #tpu.memory_space<hbm>>
      %dma_start3A_14 = tpu.memref_squeeze %dma_start3A_13 : memref<1x10240xf32, #tpu.memory_space<hbm>> -> memref<10240xf32, #tpu.memory_space<hbm>>
      tpu.enqueue_dma source(%arg12 : memref<10240xf32, #tpu.memory_space<vmem>>) target(%dma_start3A_14 : memref<10240xf32, #tpu.memory_space<hbm>>) target_semaphore(%run_scoped3A : memref<!tpu.dma_semaphore, #tpu.memory_space<semaphore_mem>>)
      %dma_wait3A = arith.constant 0 : i32
      %dma_wait3A_15 = tpu.memref_slice %arg8[%add3A, %dma_wait3A] : memref<32x10240xf32, #tpu.memory_space<hbm>> -> memref<1x10240xf32, #tpu.memory_space<hbm>>
      %dma_wait3A_16 = tpu.memref_squeeze %dma_wait3A_15 : memref<1x10240xf32, #tpu.memory_space<hbm>> -> memref<10240xf32, #tpu.memory_space<hbm>>
      %dma_wait3A_17 = arith.constant 0 : i32
      %dma_wait3A_18 = tpu.memref_slice %arg8[%add3A, %dma_wait3A_17] : memref<32x10240xf32, #tpu.memory_space<hbm>> -> memref<1x10240xf32, #tpu.memory_space<hbm>>
      %dma_wait3A_19 = tpu.memref_squeeze %dma_wait3A_18 : memref<1x10240xf32, #tpu.memory_space<hbm>> -> memref<10240xf32, #tpu.memory_space<hbm>>
      tpu.wait_dma2 semaphore(%run_scoped3A : memref<!tpu.dma_semaphore, #tpu.memory_space<semaphore_mem>>) src(%arg12 : memref<10240xf32, #tpu.memory_space<vmem>>) dst(%dma_wait3A_19 : memref<10240xf32, #tpu.memory_space<hbm>>)
      tpu.yield
    }) : () -> ()
    return
  }
}

#map = affine_map<(d0, d1) -> (0, 0)>
#map1 = affine_map<(d0, d1) -> (0)>
module attributes {stable_mosaic.version = 14 : i64} {
  func.func @_gather_body(%arg0: i32, %arg1: i32, %arg2: memref<10240x128xf32, #tpu.memory_space<hbm>>, %arg3: memref<1024xi32, #tpu.memory_space<hbm>>, %arg4: memref<1024x128xf32, #tpu.memory_space<hbm>>, %arg5: memref<32xi32, #tpu.memory_space<vmem>>, %arg6: memref<32x128xf32, #tpu.memory_space<vmem>>, %arg7: memref<!tpu.dma_semaphore, #tpu.memory_space<semaphore_mem>>) attributes {dimension_semantics = [#tpu.dimension_semantics<core_parallel>, #tpu.dimension_semantics<subcore_parallel>], iteration_bounds = array<i64: 2, 16>, scalar_prefetch = 0 : i64, scratch_operands = 3 : i64, tpu.core_type = #tpu.core_type<sc_vector_subcore>, window_params = [{transform_indices = #map}, {transform_indices = #map1}, {transform_indices = #map}]} {
    %mul3A = arith.constant 2 : i32
    %mul3A_0 = arith.muli %arg1, %mul3A : i32
    %add3A = arith.addi %mul3A_0, %arg0 : i32
    %mul3A_1 = arith.constant 32 : i32
    %mul3A_2 = arith.muli %add3A, %mul3A_1 : i32
    "tpu.region"() ({
      %run_scoped3A = tpu.sem_alloc : memref<!tpu.dma_semaphore, #tpu.memory_space<semaphore_mem>>
      %dma_start3A_7 = tpu.memref_slice %arg3[%mul3A_2] : memref<1024xi32, #tpu.memory_space<hbm>> -> memref<32xi32, #tpu.memory_space<hbm>>
      %dma_start3A_8 = tpu.memref_slice %arg3[%mul3A_2] : memref<1024xi32, #tpu.memory_space<hbm>> -> memref<32xi32, #tpu.memory_space<hbm>>
      tpu.enqueue_dma source(%dma_start3A_8 : memref<32xi32, #tpu.memory_space<hbm>>) target(%arg5 : memref<32xi32, #tpu.memory_space<vmem>>) target_semaphore(%run_scoped3A : memref<!tpu.dma_semaphore, #tpu.memory_space<semaphore_mem>>)
      %dma_wait3A_9 = tpu.memref_slice %arg3[%mul3A_2] : memref<1024xi32, #tpu.memory_space<hbm>> -> memref<32xi32, #tpu.memory_space<hbm>>
      %dma_wait3A_10 = tpu.memref_slice %arg3[%mul3A_2] : memref<1024xi32, #tpu.memory_space<hbm>> -> memref<32xi32, #tpu.memory_space<hbm>>
      tpu.wait_dma2 semaphore(%run_scoped3A : memref<!tpu.dma_semaphore, #tpu.memory_space<semaphore_mem>>) src(%dma_wait3A_10 : memref<32xi32, #tpu.memory_space<hbm>>) dst(%arg5 : memref<32xi32, #tpu.memory_space<vmem>>)
      tpu.yield
    }) : () -> ()
    %dma_start3A = arith.constant 0 : i32
    %dma_start3A_3 = arith.constant 0 : i32
    %dma_start3A_4 = tpu.memref_slice %arg2[%dma_start3A, %dma_start3A_3] : memref<10240x128xf32, #tpu.memory_space<hbm>> -> memref<10240x128xf32, #tpu.memory_space<hbm>>
    tpu.enqueue_indirect_dma source(%dma_start3A_4 : memref<10240x128xf32, #tpu.memory_space<hbm>>) target(%arg6 : memref<32x128xf32, #tpu.memory_space<vmem>>) offsets(%arg5 : memref<32xi32, #tpu.memory_space<vmem>>) semaphore(%arg7 : memref<!tpu.dma_semaphore, #tpu.memory_space<semaphore_mem>>)
    %dma_wait3A = arith.constant 0 : i32
    %dma_wait3A_5 = arith.constant 0 : i32
    %dma_wait3A_6 = tpu.memref_slice %arg2[%dma_wait3A, %dma_wait3A_5] : memref<10240x128xf32, #tpu.memory_space<hbm>> -> memref<10240x128xf32, #tpu.memory_space<hbm>>
    tpu.wait_indirect_dma semaphore(%arg7 : memref<!tpu.dma_semaphore, #tpu.memory_space<semaphore_mem>>) src(%dma_wait3A_6 : memref<10240x128xf32, #tpu.memory_space<hbm>>) dst(%arg6 : memref<32x128xf32, #tpu.memory_space<vmem>>)
    "tpu.region"() ({
      %run_scoped3A = tpu.sem_alloc : memref<!tpu.dma_semaphore, #tpu.memory_space<semaphore_mem>>
      %dma_start3A_7 = arith.constant 0 : i32
      %dma_start3A_8 = tpu.memref_slice %arg4[%mul3A_2, %dma_start3A_7] : memref<1024x128xf32, #tpu.memory_space<hbm>> -> memref<32x128xf32, #tpu.memory_space<hbm>>
      %dma_start3A_9 = arith.constant 0 : i32
      %dma_start3A_10 = tpu.memref_slice %arg4[%mul3A_2, %dma_start3A_9] : memref<1024x128xf32, #tpu.memory_space<hbm>> -> memref<32x128xf32, #tpu.memory_space<hbm>>
      tpu.enqueue_dma source(%arg6 : memref<32x128xf32, #tpu.memory_space<vmem>>) target(%dma_start3A_10 : memref<32x128xf32, #tpu.memory_space<hbm>>) target_semaphore(%run_scoped3A : memref<!tpu.dma_semaphore, #tpu.memory_space<semaphore_mem>>)
      %dma_wait3A_11 = arith.constant 0 : i32
      %dma_wait3A_12 = tpu.memref_slice %arg4[%mul3A_2, %dma_wait3A_11] : memref<1024x128xf32, #tpu.memory_space<hbm>> -> memref<32x128xf32, #tpu.memory_space<hbm>>
      %dma_wait3A_13 = arith.constant 0 : i32
      %dma_wait3A_14 = tpu.memref_slice %arg4[%mul3A_2, %dma_wait3A_13] : memref<1024x128xf32, #tpu.memory_space<hbm>> -> memref<32x128xf32, #tpu.memory_space<hbm>>
      tpu.wait_dma2 semaphore(%run_scoped3A : memref<!tpu.dma_semaphore, #tpu.memory_space<semaphore_mem>>) src(%arg6 : memref<32x128xf32, #tpu.memory_space<vmem>>) dst(%dma_wait3A_14 : memref<32x128xf32, #tpu.memory_space<hbm>>)
      tpu.yield
    }) : () -> ()
    return
  }
}

#map = affine_map<(d0, d1) -> (0, 0, 0)>
#map1 = affine_map<(d0, d1) -> (0, 0)>
module attributes {stable_mosaic.version = 14 : i64} {
  func.func @_sc_layer_body(%arg0: i32, %arg1: i32, %arg2: memref<32x79x128xi32, #tpu.memory_space<hbm>>, %arg3: memref<32x79x128xi32, #tpu.memory_space<hbm>>, %arg4: memref<10240x128xf32, #tpu.memory_space<hbm>>, %arg5: memref<10240x128xf32, #tpu.memory_space<hbm>>, %arg6: memref<2x10240x128xf32, #tpu.memory_space<hbm>>, %arg7: memref<128xi32, #tpu.memory_space<vmem>>, %arg8: memref<128xi32, #tpu.memory_space<vmem>>, %arg9: memref<128x128xf32, #tpu.memory_space<vmem>>, %arg10: memref<10240x128xf32, #tpu.memory_space<vmem_shared>>, %arg11: memref<!tpu.dma_semaphore, #tpu.memory_space<semaphore_mem>>) attributes {dimension_semantics = [#tpu.dimension_semantics<core_parallel>, #tpu.dimension_semantics<subcore_parallel>], iteration_bounds = array<i64: 2, 16>, scalar_prefetch = 0 : i64, scratch_operands = 5 : i64, tpu.core_type = #tpu.core_type<sc_vector_subcore>, window_params = [{transform_indices = #map}, {transform_indices = #map}, {transform_indices = #map1}, {transform_indices = #map1}, {transform_indices = #map}]} {
    %mul3A = arith.constant 2 : i32
    %mul3A_0 = arith.muli %arg1, %mul3A : i32
    %add3A = arith.addi %mul3A_0, %arg0 : i32
    %mul3A_1 = arith.constant 640 : i32
    %mul3A_2 = arith.muli %arg1, %mul3A_1 : i32
    "tpu.region"() ({
      %run_scoped3A = tpu.sem_alloc : memref<!tpu.dma_semaphore, #tpu.memory_space<semaphore_mem>>
      %dma_start3A = arith.constant 0 : i32
      %dma_start3A_10 = tpu.memref_slice %arg10[%mul3A_2, %dma_start3A] : memref<10240x128xf32, #tpu.memory_space<vmem_shared>> -> memref<640x128xf32, #tpu.memory_space<vmem_shared>>
      %dma_start3A_11 = arith.constant 0 : i32
      %dma_start3A_12 = tpu.memref_slice %arg5[%mul3A_2, %dma_start3A_11] : memref<10240x128xf32, #tpu.memory_space<hbm>> -> memref<640x128xf32, #tpu.memory_space<hbm>>
      tpu.enqueue_dma source(%dma_start3A_12 : memref<640x128xf32, #tpu.memory_space<hbm>>) target(%dma_start3A_10 : memref<640x128xf32, #tpu.memory_space<vmem_shared>>) target_semaphore(%run_scoped3A : memref<!tpu.dma_semaphore, #tpu.memory_space<semaphore_mem>>)
      %dma_wait3A = arith.constant 0 : i32
      %dma_wait3A_13 = tpu.memref_slice %arg10[%mul3A_2, %dma_wait3A] : memref<10240x128xf32, #tpu.memory_space<vmem_shared>> -> memref<640x128xf32, #tpu.memory_space<vmem_shared>>
      %dma_wait3A_14 = arith.constant 0 : i32
      %dma_wait3A_15 = tpu.memref_slice %arg5[%mul3A_2, %dma_wait3A_14] : memref<10240x128xf32, #tpu.memory_space<hbm>> -> memref<640x128xf32, #tpu.memory_space<hbm>>
      tpu.wait_dma2 semaphore(%run_scoped3A : memref<!tpu.dma_semaphore, #tpu.memory_space<semaphore_mem>>) src(%dma_wait3A_15 : memref<640x128xf32, #tpu.memory_space<hbm>>) dst(%dma_wait3A_13 : memref<640x128xf32, #tpu.memory_space<vmem_shared>>)
      tpu.yield
    }) : () -> ()
    %barrier3A = arith.constant 0 : index
    tpu.barrier barrier_id(%barrier3A)
    %broadcast_in_dim3A = arith.constant 1.000000e+00 : f32
    %broadcast_in_dim3A_3 = vector.broadcast %broadcast_in_dim3A : f32 to vector<16xf32>
    %scan3A = arith.constant 0 : i32
    %scan3A_4 = arith.constant 0 : i32
    %scan3A_5 = arith.constant 79 : i32
    %scan3A_6 = arith.addi %scan3A_4, %scan3A_5 : i32
    %scan3A_7 = arith.constant 1 : i32
    scf.for %scan3A_10 = %scan3A_4 to %scan3A_6 step %scan3A_7  : i32 {
      "tpu.region"() ({
        %run_scoped3A = tpu.sem_alloc : memref<!tpu.dma_semaphore, #tpu.memory_space<semaphore_mem>>
        %dma_start3A_15 = arith.constant 0 : i32
        %dma_start3A_16 = tpu.memref_slice %arg2[%add3A, %scan3A_10, %dma_start3A_15] : memref<32x79x128xi32, #tpu.memory_space<hbm>> -> memref<1x1x128xi32, #tpu.memory_space<hbm>>
        %dma_start3A_17 = tpu.memref_squeeze %dma_start3A_16 : memref<1x1x128xi32, #tpu.memory_space<hbm>> -> memref<128xi32, #tpu.memory_space<hbm>>
        %dma_start3A_18 = arith.constant 0 : i32
        %dma_start3A_19 = tpu.memref_slice %arg2[%add3A, %scan3A_10, %dma_start3A_18] : memref<32x79x128xi32, #tpu.memory_space<hbm>> -> memref<1x1x128xi32, #tpu.memory_space<hbm>>
        %dma_start3A_20 = tpu.memref_squeeze %dma_start3A_19 : memref<1x1x128xi32, #tpu.memory_space<hbm>> -> memref<128xi32, #tpu.memory_space<hbm>>
        tpu.enqueue_dma source(%dma_start3A_20 : memref<128xi32, #tpu.memory_space<hbm>>) target(%arg7 : memref<128xi32, #tpu.memory_space<vmem>>) target_semaphore(%run_scoped3A : memref<!tpu.dma_semaphore, #tpu.memory_space<semaphore_mem>>)
        %dma_wait3A_21 = arith.constant 0 : i32
        %dma_wait3A_22 = tpu.memref_slice %arg2[%add3A, %scan3A_10, %dma_wait3A_21] : memref<32x79x128xi32, #tpu.memory_space<hbm>> -> memref<1x1x128xi32, #tpu.memory_space<hbm>>
        %dma_wait3A_23 = tpu.memref_squeeze %dma_wait3A_22 : memref<1x1x128xi32, #tpu.memory_space<hbm>> -> memref<128xi32, #tpu.memory_space<hbm>>
        %dma_wait3A_24 = arith.constant 0 : i32
        %dma_wait3A_25 = tpu.memref_slice %arg2[%add3A, %scan3A_10, %dma_wait3A_24] : memref<32x79x128xi32, #tpu.memory_space<hbm>> -> memref<1x1x128xi32, #tpu.memory_space<hbm>>
        %dma_wait3A_26 = tpu.memref_squeeze %dma_wait3A_25 : memref<1x1x128xi32, #tpu.memory_space<hbm>> -> memref<128xi32, #tpu.memory_space<hbm>>
        tpu.wait_dma2 semaphore(%run_scoped3A : memref<!tpu.dma_semaphore, #tpu.memory_space<semaphore_mem>>) src(%dma_wait3A_26 : memref<128xi32, #tpu.memory_space<hbm>>) dst(%arg7 : memref<128xi32, #tpu.memory_space<vmem>>)
        tpu.yield
      }) : () -> ()
      "tpu.region"() ({
        %run_scoped3A = tpu.sem_alloc : memref<!tpu.dma_semaphore, #tpu.memory_space<semaphore_mem>>
        %dma_start3A_15 = arith.constant 0 : i32
        %dma_start3A_16 = tpu.memref_slice %arg3[%add3A, %scan3A_10, %dma_start3A_15] : memref<32x79x128xi32, #tpu.memory_space<hbm>> -> memref<1x1x128xi32, #tpu.memory_space<hbm>>
        %dma_start3A_17 = tpu.memref_squeeze %dma_start3A_16 : memref<1x1x128xi32, #tpu.memory_space<hbm>> -> memref<128xi32, #tpu.memory_space<hbm>>
        %dma_start3A_18 = arith.constant 0 : i32
        %dma_start3A_19 = tpu.memref_slice %arg3[%add3A, %scan3A_10, %dma_start3A_18] : memref<32x79x128xi32, #tpu.memory_space<hbm>> -> memref<1x1x128xi32, #tpu.memory_space<hbm>>
        %dma_start3A_20 = tpu.memref_squeeze %dma_start3A_19 : memref<1x1x128xi32, #tpu.memory_space<hbm>> -> memref<128xi32, #tpu.memory_space<hbm>>
        tpu.enqueue_dma source(%dma_start3A_20 : memref<128xi32, #tpu.memory_space<hbm>>) target(%arg8 : memref<128xi32, #tpu.memory_space<vmem>>) target_semaphore(%run_scoped3A : memref<!tpu.dma_semaphore, #tpu.memory_space<semaphore_mem>>)
        %dma_wait3A_21 = arith.constant 0 : i32
        %dma_wait3A_22 = tpu.memref_slice %arg3[%add3A, %scan3A_10, %dma_wait3A_21] : memref<32x79x128xi32, #tpu.memory_space<hbm>> -> memref<1x1x128xi32, #tpu.memory_space<hbm>>
        %dma_wait3A_23 = tpu.memref_squeeze %dma_wait3A_22 : memref<1x1x128xi32, #tpu.memory_space<hbm>> -> memref<128xi32, #tpu.memory_space<hbm>>
        %dma_wait3A_24 = arith.constant 0 : i32
        %dma_wait3A_25 = tpu.memref_slice %arg3[%add3A, %scan3A_10, %dma_wait3A_24] : memref<32x79x128xi32, #tpu.memory_space<hbm>> -> memref<1x1x128xi32, #tpu.memory_space<hbm>>
        %dma_wait3A_26 = tpu.memref_squeeze %dma_wait3A_25 : memref<1x1x128xi32, #tpu.memory_space<hbm>> -> memref<128xi32, #tpu.memory_space<hbm>>
        tpu.wait_dma2 semaphore(%run_scoped3A : memref<!tpu.dma_semaphore, #tpu.memory_space<semaphore_mem>>) src(%dma_wait3A_26 : memref<128xi32, #tpu.memory_space<hbm>>) dst(%arg8 : memref<128xi32, #tpu.memory_space<vmem>>)
        tpu.yield
      }) : () -> ()
      %dma_start3A = arith.constant 0 : i32
      %dma_start3A_11 = arith.constant 0 : i32
      %dma_start3A_12 = tpu.memref_slice %arg4[%dma_start3A, %dma_start3A_11] : memref<10240x128xf32, #tpu.memory_space<hbm>> -> memref<10240x128xf32, #tpu.memory_space<hbm>>
      tpu.enqueue_indirect_dma source(%dma_start3A_12 : memref<10240x128xf32, #tpu.memory_space<hbm>>) target(%arg9 : memref<128x128xf32, #tpu.memory_space<vmem>>) offsets(%arg7 : memref<128xi32, #tpu.memory_space<vmem>>) semaphore(%arg11 : memref<!tpu.dma_semaphore, #tpu.memory_space<semaphore_mem>>)
      %dma_wait3A = arith.constant 0 : i32
      %dma_wait3A_13 = arith.constant 0 : i32
      %dma_wait3A_14 = tpu.memref_slice %arg4[%dma_wait3A, %dma_wait3A_13] : memref<10240x128xf32, #tpu.memory_space<hbm>> -> memref<10240x128xf32, #tpu.memory_space<hbm>>
      tpu.wait_indirect_dma semaphore(%arg11 : memref<!tpu.dma_semaphore, #tpu.memory_space<semaphore_mem>>) src(%dma_wait3A_14 : memref<10240x128xf32, #tpu.memory_space<hbm>>) dst(%arg9 : memref<128x128xf32, #tpu.memory_space<vmem>>)
      "tpu.region"() ({
        %run_scoped3A = tpu.sem_alloc : memref<!tpu.dma_semaphore, #tpu.memory_space<semaphore_mem>>
        %dma_start3A_15 = arith.constant 0 : i32
        %dma_start3A_16 = arith.constant 0 : i32
        %dma_start3A_17 = tpu.memref_slice %arg10[%dma_start3A_15, %dma_start3A_16] : memref<10240x128xf32, #tpu.memory_space<vmem_shared>> -> memref<10240x128xf32, #tpu.memory_space<vmem_shared>>
        tpu.enqueue_indirect_dma source(%arg9 : memref<128x128xf32, #tpu.memory_space<vmem>>) target(%dma_start3A_17 : memref<10240x128xf32, #tpu.memory_space<vmem_shared>>) offsets(%arg8 : memref<128xi32, #tpu.memory_space<vmem>>) semaphore(%run_scoped3A : memref<!tpu.dma_semaphore, #tpu.memory_space<semaphore_mem>>) {add = true}
        %dma_wait3A_18 = arith.constant 0 : i32
        %dma_wait3A_19 = arith.constant 0 : i32
        %dma_wait3A_20 = tpu.memref_slice %arg10[%dma_wait3A_18, %dma_wait3A_19] : memref<10240x128xf32, #tpu.memory_space<vmem_shared>> -> memref<10240x128xf32, #tpu.memory_space<vmem_shared>>
        tpu.wait_indirect_dma semaphore(%run_scoped3A : memref<!tpu.dma_semaphore, #tpu.memory_space<semaphore_mem>>) src(%arg9 : memref<128x128xf32, #tpu.memory_space<vmem>>) dst(%dma_wait3A_20 : memref<10240x128xf32, #tpu.memory_space<vmem_shared>>)
        tpu.yield
      }) : () -> ()
    }
    %scan3A_8 = arith.constant 79 : i32
    %barrier3A_9 = arith.constant 0 : index
    tpu.barrier barrier_id(%barrier3A_9)
    "tpu.region"() ({
      %run_scoped3A = tpu.sem_alloc : memref<!tpu.dma_semaphore, #tpu.memory_space<semaphore_mem>>
      %dma_start3A = arith.constant 0 : i32
      %dma_start3A_10 = tpu.memref_slice %arg6[%arg0, %mul3A_2, %dma_start3A] : memref<2x10240x128xf32, #tpu.memory_space<hbm>> -> memref<1x640x128xf32, #tpu.memory_space<hbm>>
      %dma_start3A_11 = tpu.memref_squeeze %dma_start3A_10 : memref<1x640x128xf32, #tpu.memory_space<hbm>> -> memref<640x128xf32, #tpu.memory_space<hbm>>
      %dma_start3A_12 = arith.constant 0 : i32
      %dma_start3A_13 = tpu.memref_slice %arg10[%mul3A_2, %dma_start3A_12] : memref<10240x128xf32, #tpu.memory_space<vmem_shared>> -> memref<640x128xf32, #tpu.memory_space<vmem_shared>>
      tpu.enqueue_dma source(%dma_start3A_13 : memref<640x128xf32, #tpu.memory_space<vmem_shared>>) target(%dma_start3A_11 : memref<640x128xf32, #tpu.memory_space<hbm>>) target_semaphore(%run_scoped3A : memref<!tpu.dma_semaphore, #tpu.memory_space<semaphore_mem>>)
      %dma_wait3A = arith.constant 0 : i32
      %dma_wait3A_14 = tpu.memref_slice %arg6[%arg0, %mul3A_2, %dma_wait3A] : memref<2x10240x128xf32, #tpu.memory_space<hbm>> -> memref<1x640x128xf32, #tpu.memory_space<hbm>>
      %dma_wait3A_15 = tpu.memref_squeeze %dma_wait3A_14 : memref<1x640x128xf32, #tpu.memory_space<hbm>> -> memref<640x128xf32, #tpu.memory_space<hbm>>
      %dma_wait3A_16 = arith.constant 0 : i32
      %dma_wait3A_17 = tpu.memref_slice %arg10[%mul3A_2, %dma_wait3A_16] : memref<10240x128xf32, #tpu.memory_space<vmem_shared>> -> memref<640x128xf32, #tpu.memory_space<vmem_shared>>
      tpu.wait_dma2 semaphore(%run_scoped3A : memref<!tpu.dma_semaphore, #tpu.memory_space<semaphore_mem>>) src(%dma_wait3A_17 : memref<640x128xf32, #tpu.memory_space<vmem_shared>>) dst(%dma_wait3A_15 : memref<640x128xf32, #tpu.memory_space<hbm>>)
      tpu.yield
    }) : () -> ()
    return
  }
}

module attributes {stable_mosaic.version = 14 : i64} {
  func.func @_dense_body(%arg0: i32, %arg1: memref<2x1024x128xf32, #tpu.memory_space<vmem>>, %arg2: memref<1024x128xf32, #tpu.memory_space<vmem>>, %arg3: memref<32x1024xf32, #tpu.memory_space<vmem>>, %arg4: memref<128x128xf32, #tpu.memory_space<vmem>>, %arg5: memref<1x128xf32, #tpu.memory_space<vmem>>, %arg6: memref<1x128xf32, #tpu.memory_space<vmem>>, %arg7: memref<1x128xf32, #tpu.memory_space<vmem>>, %arg8: memref<1024x128xf32, #tpu.memory_space<vmem>>) attributes {dimension_semantics = [#tpu.dimension_semantics<arbitrary>], iteration_bounds = array<i64: 10>, scalar_prefetch = 0 : i64, scratch_operands = 0 : i64, tpu.core_type = #tpu.core_type<tc>, window_params = [{transform_indices = @transform_0, window_bounds = array<i64: 2, 1024, 128>}, {transform_indices = @transform_1, window_bounds = array<i64: 1024, 128>}, {transform_indices = @transform_2, window_bounds = array<i64: 32, 1024>}, {pipeline_mode = #tpu.pipeline_mode<synchronous>, transform_indices = @transform_3, window_bounds = array<i64: 128, 128>}, {pipeline_mode = #tpu.pipeline_mode<synchronous>, transform_indices = @transform_4, window_bounds = array<i64: 1, 128>}, {pipeline_mode = #tpu.pipeline_mode<synchronous>, transform_indices = @transform_5, window_bounds = array<i64: 1, 128>}, {pipeline_mode = #tpu.pipeline_mode<synchronous>, transform_indices = @transform_6, window_bounds = array<i64: 1, 128>}, {transform_indices = @transform_7, window_bounds = array<i64: 1024, 128>}]} {
    %get3A = arith.constant 0 : index
    %get3A_0 = arith.constant 0 : index
    %get3A_1 = vector.load %arg3[%get3A, %get3A_0] : memref<32x1024xf32, #tpu.memory_space<vmem>>, vector<32x1024xf32>
    %reduce_sum3A = arith.constant dense<0.000000e+00> : vector<1024xf32>
    %reduce_sum3A_2 = vector.multi_reduction <add>, %get3A_1, %reduce_sum3A [0] : vector<32x1024xf32> to vector<1024xf32>
    %broadcast_in_dim3A = vector.shape_cast %reduce_sum3A_2 : vector<1024xf32> to vector<1024x1xf32>
    %get3A_3 = arith.constant 0 : index
    %get3A_4 = arith.constant 0 : index
    %get3A_5 = arith.constant 0 : index
    %get3A_6 = vector.load %arg1[%get3A_3, %get3A_4, %get3A_5] : memref<2x1024x128xf32, #tpu.memory_space<vmem>>, vector<1x1024x128xf32>
    %get3A_7 = vector.shape_cast %get3A_6 : vector<1x1024x128xf32> to vector<1024x128xf32>
    %get3A_8 = arith.constant 1 : index
    %get3A_9 = arith.constant 0 : index
    %get3A_10 = arith.constant 0 : index
    %get3A_11 = vector.load %arg1[%get3A_8, %get3A_9, %get3A_10] : memref<2x1024x128xf32, #tpu.memory_space<vmem>>, vector<1x1024x128xf32>
    %get3A_12 = vector.shape_cast %get3A_11 : vector<1x1024x128xf32> to vector<1024x128xf32>
    %add3A = arith.addf %get3A_7, %get3A_12 : vector<1024x128xf32>
    %get3A_13 = arith.constant 0 : index
    %get3A_14 = arith.constant 0 : index
    %get3A_15 = vector.load %arg2[%get3A_13, %get3A_14] : memref<1024x128xf32, #tpu.memory_space<vmem>>, vector<1024x128xf32>
    %add3A_16 = arith.addf %add3A, %get3A_15 : vector<1024x128xf32>
    %add3A_17 = arith.constant 1.000000e+00 : f32
    %add3A_18 = vector.broadcast %add3A_17 : f32 to vector<1024x1xf32>
    %add3A_19 = arith.addf %broadcast_in_dim3A, %add3A_18 : vector<1024x1xf32>
    %div3A = vector.broadcast %add3A_19 : vector<1024x1xf32> to vector<1024x128xf32>
    %div3A_20 = arith.divf %add3A_16, %div3A : vector<1024x128xf32>
    %get3A_21 = arith.constant 0 : index
    %get3A_22 = arith.constant 0 : index
    %get3A_23 = vector.load %arg4[%get3A_21, %get3A_22] : memref<128x128xf32, #tpu.memory_space<vmem>>, vector<128x128xf32>
    %dot_general3A = arith.constant dense<0.000000e+00> : vector<1024x128xf32>
    %dot_general3A_24 = tpu.matmul %div3A_20, %get3A_23, %dot_general3A {dimension_numbers = #tpu.dot_dimension_numbers<[1], [0], [0], [1], [0, 0, 1, 1], [], []>, transpose_lhs_hint = false} : vector<1024x128xf32>, vector<128x128xf32>, vector<1024x128xf32> -> vector<1024x128xf32>
    %get3A_25 = arith.constant 0 : index
    %get3A_26 = arith.constant 0 : index
    %get3A_27 = vector.load %arg5[%get3A_25, %get3A_26] : memref<1x128xf32, #tpu.memory_space<vmem>>, vector<1x128xf32>
    %add3A_28 = vector.broadcast %get3A_27 : vector<1x128xf32> to vector<1024x128xf32>
    %add3A_29 = arith.addf %dot_general3A_24, %add3A_28 : vector<1024x128xf32>
    %reduce_sum3A_30 = arith.constant dense<0.000000e+00> : vector<1024xf32>
    %reduce_sum3A_31 = vector.multi_reduction <add>, %add3A_29, %reduce_sum3A_30 [1] : vector<1024x128xf32> to vector<1024xf32>
    %broadcast_in_dim3A_32 = vector.shape_cast %reduce_sum3A_31 : vector<1024xf32> to vector<1024x1xf32>
    %div3A_33 = arith.constant 1.280000e+02 : f32
    %div3A_34 = vector.broadcast %div3A_33 : f32 to vector<1024x1xf32>
    %div3A_35 = arith.divf %broadcast_in_dim3A_32, %div3A_34 : vector<1024x1xf32>
    %sub3A = vector.broadcast %div3A_35 : vector<1024x1xf32> to vector<1024x128xf32>
    %sub3A_36 = arith.subf %add3A_29, %sub3A : vector<1024x128xf32>
    %sub3A_37 = vector.broadcast %div3A_35 : vector<1024x1xf32> to vector<1024x128xf32>
    %sub3A_38 = arith.subf %add3A_29, %sub3A_37 : vector<1024x128xf32>
    %mul3A = arith.mulf %sub3A_36, %sub3A_38 : vector<1024x128xf32>
    %reduce_sum3A_39 = arith.constant dense<0.000000e+00> : vector<1024xf32>
    %reduce_sum3A_40 = vector.multi_reduction <add>, %mul3A, %reduce_sum3A_39 [1] : vector<1024x128xf32> to vector<1024xf32>
    %broadcast_in_dim3A_41 = vector.shape_cast %reduce_sum3A_40 : vector<1024xf32> to vector<1024x1xf32>
    %div3A_42 = arith.constant 1.280000e+02 : f32
    %div3A_43 = vector.broadcast %div3A_42 : f32 to vector<1024x1xf32>
    %div3A_44 = arith.divf %broadcast_in_dim3A_41, %div3A_43 : vector<1024x1xf32>
    %sub3A_45 = vector.broadcast %div3A_35 : vector<1024x1xf32> to vector<1024x128xf32>
    %sub3A_46 = arith.subf %add3A_29, %sub3A_45 : vector<1024x128xf32>
    %add3A_47 = arith.constant 9.99999974E-6 : f32
    %add3A_48 = vector.broadcast %add3A_47 : f32 to vector<1024x1xf32>
    %add3A_49 = arith.addf %div3A_44, %add3A_48 : vector<1024x1xf32>
    %rsqrt3A = math.rsqrt %add3A_49 : vector<1024x1xf32>
    %mul3A_50 = vector.broadcast %rsqrt3A : vector<1024x1xf32> to vector<1024x128xf32>
    %mul3A_51 = arith.mulf %sub3A_46, %mul3A_50 : vector<1024x128xf32>
    %get3A_52 = arith.constant 0 : index
    %get3A_53 = arith.constant 0 : index
    %get3A_54 = vector.load %arg6[%get3A_52, %get3A_53] : memref<1x128xf32, #tpu.memory_space<vmem>>, vector<1x128xf32>
    %mul3A_55 = vector.broadcast %get3A_54 : vector<1x128xf32> to vector<1024x128xf32>
    %mul3A_56 = arith.mulf %mul3A_51, %mul3A_55 : vector<1024x128xf32>
    %get3A_57 = arith.constant 0 : index
    %get3A_58 = arith.constant 0 : index
    %get3A_59 = vector.load %arg7[%get3A_57, %get3A_58] : memref<1x128xf32, #tpu.memory_space<vmem>>, vector<1x128xf32>
    %add3A_60 = vector.broadcast %get3A_59 : vector<1x128xf32> to vector<1024x128xf32>
    %add3A_61 = arith.addf %mul3A_56, %add3A_60 : vector<1024x128xf32>
    %gt3A = arith.constant 0.000000e+00 : f32
    %gt3A_62 = vector.broadcast %gt3A : f32 to vector<1024x128xf32>
    %gt3A_63 = arith.cmpf ogt, %add3A_61, %gt3A_62 : vector<1024x128xf32>
    %exp3A = math.exp %add3A_61 : vector<1024x128xf32>
    %sub3A_64 = arith.constant 1.000000e+00 : f32
    %sub3A_65 = vector.broadcast %sub3A_64 : f32 to vector<1024x128xf32>
    %sub3A_66 = arith.subf %exp3A, %sub3A_65 : vector<1024x128xf32>
    %select_n3A = arith.select %gt3A_63, %add3A_61, %sub3A_66 : vector<1024x128xi1>, vector<1024x128xf32>
    %swap3A = arith.constant 0 : index
    %swap3A_67 = arith.constant 0 : index
    %swap3A_68 = vector.load %arg8[%swap3A, %swap3A_67] : memref<1024x128xf32, #tpu.memory_space<vmem>>, vector<1024x128xf32>
    tpu.vector_store %arg8[%swap3A, %swap3A_67], %select_n3A {strides = array<i32>} : memref<1024x128xf32, #tpu.memory_space<vmem>>, vector<1024x128xf32>,
    return
  }
  func.func @transform_0(%arg0: i32) -> (i32, i32, i32) {
    %c0_i32 = arith.constant 0 : i32
    %c0_i32_0 = arith.constant 0 : i32
    %c0_i32_1 = arith.constant 0 : i32
    return %c0_i32, %arg0, %c0_i32_0 : i32, i32, i32
  }
  func.func @transform_1(%arg0: i32) -> (i32, i32) {
    %c0_i32 = arith.constant 0 : i32
    %c0_i32_0 = arith.constant 0 : i32
    return %arg0, %c0_i32 : i32, i32
  }
  func.func @transform_2(%arg0: i32) -> (i32, i32) {
    %c0_i32 = arith.constant 0 : i32
    %c0_i32_0 = arith.constant 0 : i32
    return %c0_i32, %arg0 : i32, i32
  }
  func.func @transform_3(%arg0: i32) -> (i32, i32) {
    %c0_i32 = arith.constant 0 : i32
    %c0_i32_0 = arith.constant 0 : i32
    %c0_i32_1 = arith.constant 0 : i32
    return %c0_i32, %c0_i32_0 : i32, i32
  }
  func.func @transform_4(%arg0: i32) -> (i32, i32) {
    %c0_i32 = arith.constant 0 : i32
    %c0_i32_0 = arith.constant 0 : i32
    %c0_i32_1 = arith.constant 0 : i32
    return %c0_i32, %c0_i32_0 : i32, i32
  }
  func.func @transform_5(%arg0: i32) -> (i32, i32) {
    %c0_i32 = arith.constant 0 : i32
    %c0_i32_0 = arith.constant 0 : i32
    %c0_i32_1 = arith.constant 0 : i32
    return %c0_i32, %c0_i32_0 : i32, i32
  }
  func.func @transform_6(%arg0: i32) -> (i32, i32) {
    %c0_i32 = arith.constant 0 : i32
    %c0_i32_0 = arith.constant 0 : i32
    %c0_i32_1 = arith.constant 0 : i32
    return %c0_i32, %c0_i32_0 : i32, i32
  }
  func.func @transform_7(%arg0: i32) -> (i32, i32) {
    %c0_i32 = arith.constant 0 : i32
    %c0_i32_0 = arith.constant 0 : i32
    return %arg0, %c0_i32 : i32, i32
  }
}

</mosaic_0001>

<sc_bundles>
// kernel: kernel.10.cloned.1.call-start
scs
__scs_entry_jumppad:
0x0: {  	(pc) =	sbr.rel $0x88, $3  }
0x1: {  	(tag) =	ssettag $0x0;
	lr =	simm.s32 $0x1  }
0x2: {  	[smem:$0x3F96] =	sst lr;
	_ =	strace $0xD0000000  }
0x3: {  	_ = 	snop  }
0x4: {  	_ = 	snop  }
0x5: {  	_ = 	snop  }
0x6: {  	_ = 	snop  }
0x7: {  	_ = 	snop  }
__scs_overlays_trampoline_lowered:
0x8: {  	[smem:$0x3FA5] =	sst s0  }
0x9: {  	[smem:$0x3FA6] =	sst s1  }
0xa: {  	[smem:$0x3FA7] =	sst s2  }
0xb: {  	[smem:$0x3FA8] =	sst s3  }
0xc: {  	[smem:$0x3FA9] =	sst s4  }
0xd: {  	[smem:$0x3FAA] =	sst s5  }
0xe: {  	[smem:$0x3FAB] =	sst s6  }
0xf: {  	[smem:$0x3FAC] =	sst s7  }
0x10: {  	[smem:$0x3FAD] =	sst s8  }
0x11: {  	[smem:$0x3FAE] =	sst s9;
	s0 =	simm.s32 @!p0 $0x0  }
0x12: {  	s1 =	sld [smem:$0x3F94];
	s0 =	simm.s32 @p0 $0x1  }
0x13: {  	[smem:$0x3FAF] =	sst s0;
	s0 =	simm.s32 @!p1 $0x0  }
0x14: {  	s2 =	sld [smem:$0x3F93];
	s0 =	simm.s32 @p1 $0x1  }
0x15: {  	[smem:$0x3FB0] =	sst s0;
	s0 =	simm.s32 @!p2 $0x0  }
0x16: {  	s3 =	sld [smem:$0x3FDB];
	s0 =	simm.s32 @p2 $0x1  }
0x17: {  	s4 =	simm.s32 $0x1BF5;
	[smem:$0x3FB2] =	sst s0  }
0x18: {  	s0 =	sld [smem:$0x3F95];
	_ =	swait.ge [sflag:s4], $0x0  }
0x19: {  	s7 =	sld [smem:$0x3F96]  }
0x1a: {  	s8 =	sadd.s32 $0xFFFFE003, lr  }
0x1b: {  	s9 =	sadd.s32 $0xFFFFFEF7, lr;
	s5 =	simm.s32 $0xFFFFFFFF;
	p2 =	slt.u32 s8, $0xFFFFF086  }
0x1c: {  	p1 =	slt.u32 s9, $0xF7A;
	s5 =	simm.s32 @!p2 $0x0  }
0x1d: {  	s5 =	simm.s32 @p1 $0x1;
	p0 =	seq.s32 s7, s2  }
0x1e: {  	s7 =	smul.u32 @!p0 $0xF7A, s2;
	p2 =	seq.s32 @!p0 s5, $0x0  }
0x1f: {  	s9 =	smul.u32 $0xF7A, s1;
	s8 =	simm.s32 @!p0 $0x1BF5;
	p2 =	por !p2, p0  }
0x20: {  	[sflag:s8] =	ssyncset.s32 @!p0 $0xFFFFF086;
	s6 =	sadd.s32 @!p0 s3, s7;
	s7 =	simm.s32 @!p0 $0x108  }
0x21: {  	s3 =	sadd.s32 s3, s9;
	s6 =	sadd.s32 @!p0 $0x88, s6;
	s7 =	simm.s32 @p2 $0x1082  }
0x22: {  	[simem:s7], [sflag:s8] =	dma.local @!p0 [hbm:s6], $0xF7A  }
0x23: {  	s9 =	sor.u32 $0xD0000000, s2;
	s6 =	simm.s32 $0x108;
	_ =	swait.ge @!p0 [sflag:s8], $0x0  }
0x24: {  	s3 =	sadd.s32 $0x88, s3;
	s6 =	simm.s32 @!p1 $0x1082;
	[sflag:s4] =	ssyncset.s32 $0xFFFFF086  }
0x25: {  	[simem:s6], [sflag:s4] =	dma.local [hbm:s3], $0xF7A  }
0x26: {  	[smem:$0x3F96] =	sst s1;
	(tag) =	ssettag s2;
	_ =	strace s9  }
0x27: {  	s1 =	sld [smem:$0x3FA6]  }
0x28: {  	s2 =	sld [smem:$0x3FA7]  }
0x29: {  	s4 =	sld [smem:$0x3FA9]  }
0x2a: {  	p0 =	seq.s32 s5, $0x0;
	s5 =	sld [smem:$0x3FAA]  }
0x2b: {  	s6 =	sld [smem:$0x3FAB]  }
0x2c: {  	s7 =	sld [smem:$0x3FAC]  }
0x2d: {  	s3 =	simm.s32 $0x108;
	s8 =	sld [smem:$0x3FAD]  }
0x2e: {  	s3 =	simm.s32 @!p0 $0x1082;
	s9 =	sld [smem:$0x3FAE]  }
0x2f: {  	lr =	sadd.s32 s0, s3;
	s0 =	sld [smem:$0x3FA5]  }
0x30: {  	s3 =	sld [smem:$0x3FA8]  }
0x31: {  	[smem:$0x3FB1] =	sst s10  }
0x32: {  	s10 =	sld [smem:$0x3FAF];
	_ =	sdelay $0x3  }
0x33: {  	p0 =	seq.s32 s10, $0x1;
	s10 =	sld [smem:$0x3FB1];
	_ =	sdelay $0x3  }
0x34: {  	[smem:$0x3FB1] =	sst s10  }
0x35: {  	s10 =	sld [smem:$0x3FB0];
	_ =	sdelay $0x3  }
0x36: {  	p1 =	seq.s32 s10, $0x1;
	s10 =	sld [smem:$0x3FB1];
	_ =	sdelay $0x3  }
0x37: {  	[smem:$0x3FB1] =	sst s10  }
0x38: {  	s10 =	sld [smem:$0x3FB2]  }
0x39: {  	_ = 	snop;
	(pc) =	sbr.ind lr, $3  }
0x3a: {  	_ = 	snop  }
0x3b: {  	_ = 	snop  }
0x3c: {  	p2 =	seq.s32 s10, $0x1;
	s10 =	sld [smem:$0x3FB1]  }
0x3d: {  	_ =	shalt  }
0x3e: {  	_ =	shalt  }
0x3f: {  	_ =	shalt  }
0x40: {  	_ =	shalt  }
0x41: {  	_ =	shalt  }
0x42: {  	_ =	shalt  }
0x43: {  	_ =	shalt  }
0x44: {  	_ =	shalt  }
0x45: {  	_ =	shalt  }
0x46: {  	_ =	shalt  }
0x47: {  	_ =	shalt  }
0x48: {  	_ =	shalt  }
0x49: {  	_ =	shalt  }
0x4a: {  	_ =	shalt  }
0x4b: {  	_ =	shalt  }
0x4c: {  	_ =	shalt  }
0x4d: {  	_ =	shalt  }
0x4e: {  	_ =	shalt  }
0x4f: {  	_ =	shalt  }
0x50: {  	_ =	shalt  }
0x51: {  	_ =	shalt  }
0x52: {  	_ =	shalt  }
0x53: {  	_ =	shalt  }
0x54: {  	_ =	shalt  }
0x55: {  	_ =	shalt  }
0x56: {  	_ =	shalt  }
0x57: {  	_ =	shalt  }
0x58: {  	_ =	shalt  }
0x59: {  	_ =	shalt  }
0x5a: {  	_ =	shalt  }
0x5b: {  	_ =	shalt  }
0x5c: {  	_ =	shalt  }
0x5d: {  	_ =	shalt  }
0x5e: {  	_ =	shalt  }
0x5f: {  	_ =	shalt  }
0x60: {  	_ =	shalt  }
0x61: {  	_ =	shalt  }
0x62: {  	_ =	shalt  }
0x63: {  	_ =	shalt  }
0x64: {  	_ =	shalt  }
0x65: {  	_ =	shalt  }
0x66: {  	_ =	shalt  }
0x67: {  	_ =	shalt  }
0x68: {  	_ =	shalt  }
0x69: {  	_ =	shalt  }
0x6a: {  	_ =	shalt  }
0x6b: {  	_ =	shalt  }
0x6c: {  	_ =	shalt  }
0x6d: {  	_ =	shalt  }
0x6e: {  	_ =	shalt  }
0x6f: {  	_ =	shalt  }
0x70: {  	_ =	shalt  }
0x71: {  	_ =	shalt  }
0x72: {  	_ =	shalt  }
0x73: {  	_ =	shalt  }
0x74: {  	_ =	shalt  }
0x75: {  	_ =	shalt  }
0x76: {  	_ =	shalt  }
0x77: {  	_ =	shalt  }
0x78: {  	_ =	shalt  }
0x79: {  	_ =	shalt  }
0x7a: {  	_ =	shalt  }
0x7b: {  	_ =	shalt  }
0x7c: {  	_ =	shalt  }
0x7d: {  	_ =	shalt  }
0x7e: {  	_ =	shalt  }
0x7f: {  	_ =	shalt  }
0x80: {  	_ =	shalt  }
0x81: {  	_ =	shalt  }
0x82: {  	_ =	shalt  }
0x83: {  	_ =	shalt  }
0x84: {  	_ =	shalt  }
0x85: {  	_ =	shalt  }
0x86: {  	_ =	shalt  }
0x87: {  	_ =	shalt  }
.Lfunc_end0:
.L_simem_size_0:
called_computation.1_lowered:
.L_overlay_start_0:
0x88: {  	s2 =	sld [smem:$0x3FD9]  }
0x89: {  	s3 =	sld [smem:$0x3FFE];
	_ =	sdelay $0x1  }
0x8a: {  	s1 =	srdreg.scid  }
0x8b: {  	s0 =	sand.u32 $0x1, s1  }
0x8c: {  	s16 =	sshll.u32 s0, $0xA;
	s2 =	sadd.s32 s3, s2  }
0x8d: {  	s2 =	sadd.s32 s2, s16  }
0x8e: {  	[smem:$0x3FBD] =	sst s2  }
0x8f: {  	_ = 	snop  }
0x90: {  	(tm) =	ssettm $0x1  }
0x91: {  	s17 =	sld [smem:$0x3FFB];
	_ =	sdelay $0x3  }
0x92: {  	_ =	strace s17  }
0x93: {  	s2 =	sld [smem:$0x3FFC];
	_ =	sdelay $0x3  }
0x94: {  	_ =	strace s2  }
0x95: {  	s2 =	sld [smem:$0x3FFD];
	_ =	sdelay $0x3  }
0x96: {  	_ =	strace s2  }
0x97: {  	_ =	strace $0x8FFFFFFF  }
0x98: {  	s18 =	sld [smem:$0x3FDB];
	_ =	sdelay $0x1  }
0x99: {  	s19 =	simm.s32 $_scs_section_size  }
0x9a: {  	s4 =	simm.s32 $_size__tile_overlayer_lowered;
	s5 =	simm.s32 $_tile_overlayer_lowered  }
0x9b: {  	s22 =	simm.s32 $0x1BFF;
	s21 =	sshll.u32 s5, $0x1;
	s2 =	sadd.s32 s19, s18  }
0x9c: {  	s6 =	simm.s32 $0x0;
	s20 =	sshll.u32 s4, $0x1;
	s4 =	sadd.s32 s21, s2  }
0x9d: {  	[timem:s6], [sflag:s22] =	dma.local [hbm:s4], s20  }
0x9e: {  	_ =	swait.ge [sflag:s22], s20  }
0x9f: {  	s3 =	ssub.s32 $0x0, s20;
	[sflag:s22] =	ssyncset.done $0x0  }
0xa0: {  	[sflag:s22] =	ssyncadd.s32 s3;
	_ =	sdelay $0x1  }
0xa1: {  	s23 =	simm.s32 $0x1B8B  }
0xa2: {  	_ =	swait.ge [sflag:s23], $0x1  }
0xa3: {  	[sflag:s23] =	ssyncset.done $0x0  }
0xa4: {  	s25 =	simm.s32 $0x1B8E;
	s24 =	sld [smem:$0x3FFE];
	[sflag:s23] =	ssyncadd.s32 $0xFFFFFFFF  }
0xa5: {  	s26 =	simm.s32 $execute0_lowered;
	[smem:$0x3FD2] =	sst s25  }
0xa6: {  	s4 =	sshll.u32 s26, $0x1;
	_ =	strace $0x80000049;
	[dreg:$0x1] =	wrdreg $0xFFFFFFFF  }
0xa7: {  	s28 =	simm.s32 $_size_execute0_lowered;
	s2 =	sadd.s32 s2, s4;
	[dreg:$0x0] =	wrdreg $0x0  }
0xa8: {  	s4 =	sshll.u32 s28, $0x1;
	[dreg:$0x2] =	wrdreg s2  }
0xa9: {  	[dreg:$0x3] =	wrdreg s4  }
0xaa: {  	[dreg:$0x4] =	wrdreg $0xC0  }
0xab: {  	_ =	task [dreg:s6], $0x5FFFF  }
0xac: {  	[dreg:$0x1] =	wrdreg $0xFFFFFFFF  }
0xad: {  	[dreg:$0x0] =	wrdreg $0x60  }
0xae: {  	[dreg:$0x2] =	wrdreg s24  }
0xaf: {  	[dreg:$0x3] =	wrdreg $0x41000  }
0xb0: {  	[dreg:$0x4] =	wrdreg $0x9  }
0xb1: {  	_ =	task.clear_ibuf [dreg:s6], $0x5FFFF;
	_ =	strace $0x90000049  }
0xb2: {  	s29 =	simm.s32 $0x9;
	_ =	strace $0x8000004B  }
0xb3: {  	_ =	swait.ge [sflag:s29], $0x1  }
0xb4: {  	[sflag:s29] =	ssyncadd.s32 $0xFFFFFFFF  }
0xb5: {  	_ =	strace $0x9000004B  }
0xb6: {  	_ =	sfence  }
0xb7: {  	s30 =	sld [smem:$0x0];
	_ =	sdelay $0x2  }
0xb8: {  	s31 =	sshll.u32 s1, $0xD;
	s1 =	sshrl.u32 s1, $0x2  }
0xb9: {  	s3 =	sand.u32 $0x4000, s31;
	s1 =	sadd.s32 s1, s30  }
0xba: {  	s0 =	sor.u32 s3, s0;
	s1 =	sshll.u32 s1, $0x11  }
0xbb: {  	s0 =	sor.u32 s1, s0  }
0xbc: {  	s0 =	sadd.s32 $0x8F2B, s0  }
0xbd: {  	[sflag:s0] =	ssyncadd.remote.s32 $0x1  }
0xbe: {  	_ =	sfence.sel $0xFFFF  }
0xbf: {  	[dreg:$0x0] =	wrdreg $0xFFFFFFFF;
	(pc) =	sbr.abs _section_cstart, $3  }
0xc0: {  	[dreg:$0x1] =	wrdreg $0xFFFFFFFF  }
0xc1: {  	_ =	task.clear_ibuf [dreg:s6], $0x2FFFF;
	_ =	strace $0x9FFFFFFF  }
0xc2: {  	(tm) =	ssettm $0x7FFFFFFF  }
0xc3: {  	_ =	shalt  }
tec
execute0_lowered:
.L_overlay_start_1:
0x0: {  	(tag) =	ssettag $0x1  }
0x1: {  	s7 =	rddreg [dreg:$0x0]  }
0x2: {  	s2 =	rddreg [dreg:$0x1]  }
0x3: {  	s0 =	rddreg [dreg:$0x2]  }
0x4: {  	s3 =	simm.s32 $0x0;
	s1 =	stileid.u32;
	s4 =	srdreg.scid  }
0x5: {  	s15 =	simm.s32 $0x100;
	s16 =	simm.s32 $0x1;
	s17 =	simm.s32 $0x0  }
0x6: {  	[smem:$0x7FF] =	sst s3;
	s8 =	smul.u32 $0x14000, s1;
	s9 =	sand.u32 $0x1, s4  }
0x7: {  	s4 =	sadd.s32 $0x3600, s7;
	s5 =	sadd.s32 $0xD600, s7;
	s6 =	sadd.s32 $0x17600, s7  }
0x8: {  	s13 =	smul.u32 $0x50000, s1;
	s29 =	sshll.u32 s1, $0x1;
	s31 =	sshll.u32 s1, $0x6  }
0x9: {  	_ =	strace $0x8000004A;
	s10 =	smul.u32 $0x140000, s9;
	s28 =	ssub.s32 $0x2, s9  }
0xa: {  	s9 =	sor.u32 s9, s29;
	s11 =	sshrl.u32 s8, $0x3;
	s12 =	sshrl.u32 s28, $0x1  }
0xb: {  	s30 =	sshrl.u32 s13, $0x2;
	s9 =	smul.u32 $0x2800, s9;
	s8 =	sadd.s32 s8, s10  }
0xc: {  	s11 =	sadd.s32 s11, s7;
	s12 =	ssub.s32 s28, s12;
	s8 =	sshrl.u32 s8, $0x3  }
0xd: {  	s13 =	sadd.s32 s30, s2;
	s14 =	sadd.s32 s8, s7;
	s7 =	sadd.s32 $0x3F600, s11  }
0xe: {  	s8 =	sor.u32 $0x1C02, s31;
	s11 =	smax.u32 s12, $0x1;
	s12 =	sshrl.u32 s13, $0x3  }
0xf: {  	s13 =	simm.s32 $0x2;
	s10 =	sadd.s32 $0x67600, s14;
	s14 =	simm.s32 $0x80  }
.LBB2_1:
0x10: {  	[spmem:s12], [sflag:s8] =	dma.local [hbm:s7], $0x2800  }
0x11: {  	s18 =	sand.u32 $0x3C00, s3  }
0x12: {  	s19 =	sand.u32 $0x380, s3;
	_ =	swait.ge [sflag:s13], $0x2800;
	s18 =	sadd.s32 s9, s18  }
0x13: {  	[sflag:s13] =	ssyncset.done $0x0;
	s18 =	sor.u32 s19, s18  }
0x14: {  	[sflag:s13] =	ssyncadd.s32 $0xFFFFD800;
	s18 =	sshrl.u32 s18, $0x3  }
0x15: {  	[bflag:$0x0] =	sbarrier.arrive $0xFFFF;
	s29 =	sadd.s32 s4, s18  }
0x16: {  	[tilespmem:s3], [sflag:$0x2] =	stream.linear.gather [hbm4b:s29+s3], $0x80, $0x38;
	[tilespmem:$0x18100] =	vst v63  }
0x17: {  	_ =	swait.ge [sflag:s13], $0x80  }
0x18: {  	[sflag:s13] =	ssyncset.done $0x0  }
0x19: {  	s18 =	sadd.s32 s5, s18;
	[sflag:s13] =	ssyncadd.s32 $0xFFFFFF80  }
0x1a: {  	[tilespmem:s14], [sflag:$0x2] =	stream.linear.gather [hbm4b:s18+s3], $0x80, $0x38;
	[tilespmem:$0x18100] =	vst v63  }
0x1b: {  	_ =	swait.ge [sflag:s13], $0x80  }
0x1c: {  	[sflag:s13] =	ssyncset.done $0x0  }
0x1d: {  	[sflag:s13] =	ssyncadd.s32 $0xFFFFFF80  }
0x1e: {  	[tilespmem:s15], [sflag:$0x1] =	stream.indirect.gather [hbm4b:s6+s14], $0x80, s3, s14, $0xb8;
	[tilespmem:$0x18100] =	vst v63  }
0x1f: {  	_ =	swait.ge [sflag:s16], $0x4000  }
0x20: {  	s30 =	simm.s32 $0x80;
	[sflag:s16] =	ssyncset.done $0x0  }
0x21: {  	s31 =	sand.u32 $0x3C00, s30;
	[sflag:s16] =	ssyncadd.s32 $0xFFFFC000  }
0x22: {  	[spmem:s2] =	stream.indirect.scatter.add.f32 [tilespmem:s15], [sflag:$0x2], $0x80, s14, s14, $0xb8;
	[tilespmem:$0x18100] =	vst v63  }
0x23: {  	s20 =	sand.u32 $0x380, s30;
	s19 =	sadd.s32 s9, s31;
	_ =	swait.ge [sflag:s13], $0x4000  }
0x24: {  	s19 =	sor.u32 s20, s19;
	s18 =	simm.s32 $0x100;
	[sflag:s13] =	ssyncset.done $0x0  }
.LBB2_2:
0x25: {  	s19 =	sshrl.u32 s19, $0x3  }
0x26: {  	[sflag:s13] =	ssyncadd.s32 $0xFFFFC000;
	s20 =	smov.u32 s18;
	s21 =	sadd.s32 $0x80, s18  }
0x27: {  	p0 =	sne.s32 s18, $0x2700;
	s18 =	sadd.s32 s4, s19  }
0x28: {  	[tilespmem:s3], [sflag:$0x2] =	stream.linear.gather [hbm4b:s18+s3], $0x80, $0x38;
	[tilespmem:$0x18100] =	vst v63  }
0x29: {  	_ =	swait.ge [sflag:s13], $0x80  }
0x2a: {  	[sflag:s13] =	ssyncset.done $0x0  }
0x2b: {  	s18 =	sadd.s32 s5, s19;
	[sflag:s13] =	ssyncadd.s32 $0xFFFFFF80  }
0x2c: {  	[tilespmem:s14], [sflag:$0x2] =	stream.linear.gather [hbm4b:s18+s3], $0x80, $0x38;
	[tilespmem:$0x18100] =	vst v63  }
0x2d: {  	_ =	swait.ge [sflag:s13], $0x80  }
0x2e: {  	[sflag:s13] =	ssyncset.done $0x0  }
0x2f: {  	[sflag:s13] =	ssyncadd.s32 $0xFFFFFF80  }
0x30: {  	[tilespmem:s15], [sflag:$0x1] =	stream.indirect.gather [hbm4b:s6+s14], $0x80, s3, s14, $0xb8;
	[tilespmem:$0x18100] =	vst v63  }
0x31: {  	_ =	swait.ge [sflag:s16], $0x4000  }
.Ltmp0:
0x32: {  	[sflag:s16] =	ssyncset.done $0x0;
	(pc) =	sbr.rel @p0 .LBB2_2-.Ltmp0, $4  }
0x33: {  	s18 =	sand.u32 $0x3C00, s20;
	[sflag:s16] =	ssyncadd.s32 $0xFFFFC000  }
0x34: {  	[spmem:s2] =	stream.indirect.scatter.add.f32 [tilespmem:s15], [sflag:$0x2], $0x80, s14, s14, $0xb8;
	[tilespmem:$0x18100] =	vst v63  }
0x35: {  	s19 =	sand.u32 $0x380, s20;
	s18 =	sadd.s32 s9, s18;
	_ =	swait.ge [sflag:s13], $0x4000  }
0x36: {  	s19 =	sor.u32 s19, s18;
	s18 =	smov.u32 s21;
	[sflag:s13] =	ssyncset.done $0x0  }
0x37: {  	s18 =	sshrl.u32 s19, $0x3  }
0x38: {  	[sflag:s13] =	ssyncadd.s32 $0xFFFFC000;
	s19 =	sadd.s32 s4, s18  }
0x39: {  	[tilespmem:s3], [sflag:$0x2] =	stream.linear.gather [hbm4b:s19+s3], $0x80, $0x38;
	[tilespmem:$0x18100] =	vst v63  }
0x3a: {  	_ =	swait.ge [sflag:s13], $0x80  }
0x3b: {  	[sflag:s13] =	ssyncset.done $0x0  }
0x3c: {  	s18 =	sadd.s32 s5, s18;
	[sflag:s13] =	ssyncadd.s32 $0xFFFFFF80  }
0x3d: {  	[tilespmem:s14], [sflag:$0x2] =	stream.linear.gather [hbm4b:s18+s3], $0x80, $0x38;
	[tilespmem:$0x18100] =	vst v63  }
0x3e: {  	_ =	swait.ge [sflag:s13], $0x80  }
0x3f: {  	[sflag:s13] =	ssyncset.done $0x0  }
0x40: {  	[sflag:s13] =	ssyncadd.s32 $0xFFFFFF80  }
0x41: {  	[tilespmem:s15], [sflag:$0x1] =	stream.indirect.gather [hbm4b:s6+s14], $0x80, s3, s14, $0xb8;
	[tilespmem:$0x18100] =	vst v63  }
0x42: {  	_ =	swait.ge [sflag:s16], $0x4000  }
0x43: {  	[sflag:s16] =	ssyncset.done $0x0  }
0x44: {  	[sflag:s16] =	ssyncadd.s32 $0xFFFFC000  }
0x45: {  	[spmem:s2] =	stream.indirect.scatter.add.f32 [tilespmem:s15], [sflag:$0x2], $0x80, s14, s14, $0xb8;
	[tilespmem:$0x18100] =	vst v63  }
0x46: {  	_ =	swait.ge [sflag:s13], $0x4000  }
0x47: {  	s17 =	sadd.s32 $0x1, s17;
	[sflag:s13] =	ssyncset.done $0x0  }
0x48: {  	p0 =	sne.s32 s17, s11;
	[sflag:s13] =	ssyncadd.s32 $0xFFFFC000  }
.Ltmp1:
0x49: {  	[bflag:$0x0] =	sbarrier.arrive $0xFFFF;
	(pc) =	sbr.rel @p0 .LBB2_1-.Ltmp1, $4  }
0x4a: {  	[hbm:s10], [sflag:s8] =	dma.local [spmem:s12], $0x2800  }
0x4b: {  	_ =	swait.ge [sflag:s13], $0x2800  }
0x4c: {  	[sflag:s13] =	ssyncset.done $0x0  }
0x4d: {  	[sflag:s13] =	ssyncadd.s32 $0xFFFFD800  }
0x4e: {  	_ =	sfence.sel $0x180000  }
0x4f: {  	[bflag:$0x0] =	sbarrier.arrive $0xFFFF  }
0x50: {  	p0 =	sne.s32 s1, $0x0;
	_ =	strace $0x9000004A  }
0x51: {  	s0 =	sadd.s32 @!p0 $0x100000, s0;
	[bflag:$0x2] =	sbarrier.arrive $0xFFFF  }
0x52: {  	[sflag:s0] =	ssyncadd.tile.s32 @!p0 $0x1;
	_ =	shalt  }
.Lfunc_end2:
_tile_overlayer_lowered:
.L_overlay_start_2:
0x53: {  	(tag) =	ssettag $0x2  }
0x54: {  	s0 =	rddreg [dreg:$0x0];
	s2 =	stileid.u32  }
0x55: {  	s1 =	rddreg [dreg:$0x1];
	p0 =	sne.s32 s2, $0x0  }
0x56: {  	s3 =	rddreg [dreg:$0x2];
	[bflag:$0x3] =	sbarrier.arrive $0xFFFF;
	s2 =	simm.s32 @!p0 $0x1C02  }
0x57: {  	[timem:s3], [sflag:s2] =	dma.local @!p0 [hbm:s0], s1  }
0x58: {  	s0 =	simm.s32 @!p0 $0x2  }
0x59: {  	_ =	swait.ge @!p0 [sflag:s0], s1  }
0x5a: {  	s1 =	ssub.s32 @!p0 $0x0, s1;
	[sflag:s0] =	ssyncset.done @!p0 $0x0  }
0x5b: {  	[sflag:s0] =	ssyncadd.s32 @!p0 s1  }
0x5c: {  	[bflag:$0x3] =	sbarrier.arrive $0xFFFF  }
0x5d: {  	_ =	shalt  }

// kernel: kernel.13.cloned.1.call-start
scs
__scs_entry_jumppad:
0x0: {  	(pc) =	sbr.rel $0x88, $3  }
0x1: {  	(tag) =	ssettag $0x0;
	lr =	simm.s32 $0x1  }
0x2: {  	[smem:$0x3F96] =	sst lr;
	_ =	strace $0xD0000000  }
0x3: {  	_ = 	snop  }
0x4: {  	_ = 	snop  }
0x5: {  	_ = 	snop  }
0x6: {  	_ = 	snop  }
0x7: {  	_ = 	snop  }
__scs_overlays_trampoline_lowered:
0x8: {  	[smem:$0x3FA5] =	sst s0  }
0x9: {  	[smem:$0x3FA6] =	sst s1  }
0xa: {  	[smem:$0x3FA7] =	sst s2  }
0xb: {  	[smem:$0x3FA8] =	sst s3  }
0xc: {  	[smem:$0x3FA9] =	sst s4  }
0xd: {  	[smem:$0x3FAA] =	sst s5  }
0xe: {  	[smem:$0x3FAB] =	sst s6  }
0xf: {  	[smem:$0x3FAC] =	sst s7  }
0x10: {  	[smem:$0x3FAD] =	sst s8  }
0x11: {  	[smem:$0x3FAE] =	sst s9;
	s0 =	simm.s32 @!p0 $0x0  }
0x12: {  	s1 =	sld [smem:$0x3F94];
	s0 =	simm.s32 @p0 $0x1  }
0x13: {  	[smem:$0x3FAF] =	sst s0;
	s0 =	simm.s32 @!p1 $0x0  }
0x14: {  	s2 =	sld [smem:$0x3F93];
	s0 =	simm.s32 @p1 $0x1  }
0x15: {  	[smem:$0x3FB0] =	sst s0;
	s0 =	simm.s32 @!p2 $0x0  }
0x16: {  	s3 =	sld [smem:$0x3FDB];
	s0 =	simm.s32 @p2 $0x1  }
0x17: {  	s4 =	simm.s32 $0x1BF5;
	[smem:$0x3FB2] =	sst s0  }
0x18: {  	s0 =	sld [smem:$0x3F95];
	_ =	swait.ge [sflag:s4], $0x0  }
0x19: {  	s7 =	sld [smem:$0x3F96]  }
0x1a: {  	s8 =	sadd.s32 $0xFFFFE003, lr  }
0x1b: {  	s9 =	sadd.s32 $0xFFFFFEF7, lr;
	s5 =	simm.s32 $0xFFFFFFFF;
	p2 =	slt.u32 s8, $0xFFFFF086  }
0x1c: {  	p1 =	slt.u32 s9, $0xF7A;
	s5 =	simm.s32 @!p2 $0x0  }
0x1d: {  	s5 =	simm.s32 @p1 $0x1;
	p0 =	seq.s32 s7, s2  }
0x1e: {  	s7 =	smul.u32 @!p0 $0xF7A, s2;
	p2 =	seq.s32 @!p0 s5, $0x0  }
0x1f: {  	s9 =	smul.u32 $0xF7A, s1;
	s8 =	simm.s32 @!p0 $0x1BF5;
	p2 =	por !p2, p0  }
0x20: {  	[sflag:s8] =	ssyncset.s32 @!p0 $0xFFFFF086;
	s6 =	sadd.s32 @!p0 s3, s7;
	s7 =	simm.s32 @!p0 $0x108  }
0x21: {  	s3 =	sadd.s32 s3, s9;
	s6 =	sadd.s32 @!p0 $0x88, s6;
	s7 =	simm.s32 @p2 $0x1082  }
0x22: {  	[simem:s7], [sflag:s8] =	dma.local @!p0 [hbm:s6], $0xF7A  }
0x23: {  	s9 =	sor.u32 $0xD0000000, s2;
	s6 =	simm.s32 $0x108;
	_ =	swait.ge @!p0 [sflag:s8], $0x0  }
0x24: {  	s3 =	sadd.s32 $0x88, s3;
	s6 =	simm.s32 @!p1 $0x1082;
	[sflag:s4] =	ssyncset.s32 $0xFFFFF086  }
0x25: {  	[simem:s6], [sflag:s4] =	dma.local [hbm:s3], $0xF7A  }
0x26: {  	[smem:$0x3F96] =	sst s1;
	(tag) =	ssettag s2;
	_ =	strace s9  }
0x27: {  	s1 =	sld [smem:$0x3FA6]  }
0x28: {  	s2 =	sld [smem:$0x3FA7]  }
0x29: {  	s4 =	sld [smem:$0x3FA9]  }
0x2a: {  	p0 =	seq.s32 s5, $0x0;
	s5 =	sld [smem:$0x3FAA]  }
0x2b: {  	s6 =	sld [smem:$0x3FAB]  }
0x2c: {  	s7 =	sld [smem:$0x3FAC]  }
0x2d: {  	s3 =	simm.s32 $0x108;
	s8 =	sld [smem:$0x3FAD]  }
0x2e: {  	s3 =	simm.s32 @!p0 $0x1082;
	s9 =	sld [smem:$0x3FAE]  }
0x2f: {  	lr =	sadd.s32 s0, s3;
	s0 =	sld [smem:$0x3FA5]  }
0x30: {  	s3 =	sld [smem:$0x3FA8]  }
0x31: {  	[smem:$0x3FB1] =	sst s10  }
0x32: {  	s10 =	sld [smem:$0x3FAF];
	_ =	sdelay $0x3  }
0x33: {  	p0 =	seq.s32 s10, $0x1;
	s10 =	sld [smem:$0x3FB1];
	_ =	sdelay $0x3  }
0x34: {  	[smem:$0x3FB1] =	sst s10  }
0x35: {  	s10 =	sld [smem:$0x3FB0];
	_ =	sdelay $0x3  }
0x36: {  	p1 =	seq.s32 s10, $0x1;
	s10 =	sld [smem:$0x3FB1];
	_ =	sdelay $0x3  }
0x37: {  	[smem:$0x3FB1] =	sst s10  }
0x38: {  	s10 =	sld [smem:$0x3FB2]  }
0x39: {  	_ = 	snop;
	(pc) =	sbr.ind lr, $3  }
0x3a: {  	_ = 	snop  }
0x3b: {  	_ = 	snop  }
0x3c: {  	p2 =	seq.s32 s10, $0x1;
	s10 =	sld [smem:$0x3FB1]  }
0x3d: {  	_ =	shalt  }
0x3e: {  	_ =	shalt  }
0x3f: {  	_ =	shalt  }
0x40: {  	_ =	shalt  }
0x41: {  	_ =	shalt  }
0x42: {  	_ =	shalt  }
0x43: {  	_ =	shalt  }
0x44: {  	_ =	shalt  }
0x45: {  	_ =	shalt  }
0x46: {  	_ =	shalt  }
0x47: {  	_ =	shalt  }
0x48: {  	_ =	shalt  }
0x49: {  	_ =	shalt  }
0x4a: {  	_ =	shalt  }
0x4b: {  	_ =	shalt  }
0x4c: {  	_ =	shalt  }
0x4d: {  	_ =	shalt  }
0x4e: {  	_ =	shalt  }
0x4f: {  	_ =	shalt  }
0x50: {  	_ =	shalt  }
0x51: {  	_ =	shalt  }
0x52: {  	_ =	shalt  }
0x53: {  	_ =	shalt  }
0x54: {  	_ =	shalt  }
0x55: {  	_ =	shalt  }
0x56: {  	_ =	shalt  }
0x57: {  	_ =	shalt  }
0x58: {  	_ =	shalt  }
0x59: {  	_ =	shalt  }
0x5a: {  	_ =	shalt  }
0x5b: {  	_ =	shalt  }
0x5c: {  	_ =	shalt  }
0x5d: {  	_ =	shalt  }
0x5e: {  	_ =	shalt  }
0x5f: {  	_ =	shalt  }
0x60: {  	_ =	shalt  }
0x61: {  	_ =	shalt  }
0x62: {  	_ =	shalt  }
0x63: {  	_ =	shalt  }
0x64: {  	_ =	shalt  }
0x65: {  	_ =	shalt  }
0x66: {  	_ =	shalt  }
0x67: {  	_ =	shalt  }
0x68: {  	_ =	shalt  }
0x69: {  	_ =	shalt  }
0x6a: {  	_ =	shalt  }
0x6b: {  	_ =	shalt  }
0x6c: {  	_ =	shalt  }
0x6d: {  	_ =	shalt  }
0x6e: {  	_ =	shalt  }
0x6f: {  	_ =	shalt  }
0x70: {  	_ =	shalt  }
0x71: {  	_ =	shalt  }
0x72: {  	_ =	shalt  }
0x73: {  	_ =	shalt  }
0x74: {  	_ =	shalt  }
0x75: {  	_ =	shalt  }
0x76: {  	_ =	shalt  }
0x77: {  	_ =	shalt  }
0x78: {  	_ =	shalt  }
0x79: {  	_ =	shalt  }
0x7a: {  	_ =	shalt  }
0x7b: {  	_ =	shalt  }
0x7c: {  	_ =	shalt  }
0x7d: {  	_ =	shalt  }
0x7e: {  	_ =	shalt  }
0x7f: {  	_ =	shalt  }
0x80: {  	_ =	shalt  }
0x81: {  	_ =	shalt  }
0x82: {  	_ =	shalt  }
0x83: {  	_ =	shalt  }
0x84: {  	_ =	shalt  }
0x85: {  	_ =	shalt  }
0x86: {  	_ =	shalt  }
0x87: {  	_ =	shalt  }
.Lfunc_end0:
.L_simem_size_0:
called_computation.2_lowered:
.L_overlay_start_0:
0x88: {  	s2 =	sld [smem:$0x3FD9]  }
0x89: {  	s3 =	sld [smem:$0x3FFE];
	_ =	sdelay $0x1  }
0x8a: {  	s1 =	srdreg.scid  }
0x8b: {  	s0 =	sand.u32 $0x1, s1  }
0x8c: {  	s17 =	sshll.u32 s0, $0xA;
	s2 =	sadd.s32 s3, s2  }
0x8d: {  	s2 =	sadd.s32 s2, s17  }
0x8e: {  	[smem:$0x3FBD] =	sst s2  }
0x8f: {  	_ = 	snop  }
0x90: {  	s2 =	sld [smem:$0x3FBF]  }
0x91: {  	s18 =	sld [smem:$0x3FD0];
	(tm) =	ssettm $0x1  }
0x92: {  	s4 =	sld [smem:$0x3FFB];
	_ =	sdelay $0x3  }
0x93: {  	_ =	strace s4  }
0x94: {  	s4 =	sld [smem:$0x3FFC];
	_ =	sdelay $0x3  }
0x95: {  	_ =	strace s4  }
0x96: {  	s4 =	sld [smem:$0x3FFD];
	_ =	sdelay $0x3  }
0x97: {  	_ =	strace s4  }
0x98: {  	_ =	strace $0x8FFFFFFF  }
0x99: {  	s19 =	sld [smem:$0x3FDB];
	_ =	sdelay $0x1  }
0x9a: {  	s5 =	simm.s32 $_scs_section_size  }
0x9b: {  	s6 =	simm.s32 $_size__tile_overlayer_lowered;
	s7 =	simm.s32 $_tile_overlayer_lowered  }
0x9c: {  	s22 =	simm.s32 $0x1BFF;
	s21 =	sshll.u32 s7, $0x1;
	s4 =	sadd.s32 s5, s19  }
0x9d: {  	s8 =	simm.s32 $0x0;
	s20 =	sshll.u32 s6, $0x1;
	s6 =	sadd.s32 s21, s4  }
0x9e: {  	[timem:s8], [sflag:s22] =	dma.local [hbm:s6], s20  }
0x9f: {  	_ =	swait.ge [sflag:s22], s20  }
0xa0: {  	s5 =	ssub.s32 $0x0, s20;
	[sflag:s22] =	ssyncset.done $0x0  }
0xa1: {  	[sflag:s22] =	ssyncadd.s32 s5;
	_ =	sdelay $0x1  }
0xa2: {  	s23 =	simm.s32 $0x1B8B  }
0xa3: {  	_ =	swait.ge [sflag:s23], $0x1  }
0xa4: {  	[sflag:s23] =	ssyncset.done $0x0  }
0xa5: {  	s25 =	simm.s32 $0x1B8E;
	s24 =	sld [smem:$0x3FFE];
	[sflag:s23] =	ssyncadd.s32 $0xFFFFFFFF  }
0xa6: {  	s26 =	simm.s32 $execute0_lowered;
	[smem:$0x3FD2] =	sst s25  }
0xa7: {  	s6 =	sshll.u32 s26, $0x1;
	_ =	strace $0x8000004C;
	[dreg:$0x1] =	wrdreg $0xFFFFFFFF  }
0xa8: {  	s28 =	simm.s32 $_size_execute0_lowered;
	s4 =	sadd.s32 s4, s6;
	[dreg:$0x0] =	wrdreg $0x0  }
0xa9: {  	s6 =	sshll.u32 s28, $0x1;
	[dreg:$0x2] =	wrdreg s4  }
0xaa: {  	[dreg:$0x3] =	wrdreg s6  }
0xab: {  	[dreg:$0x4] =	wrdreg $0xC0  }
0xac: {  	_ =	task [dreg:s8], $0x5FFFF  }
0xad: {  	[dreg:$0x1] =	wrdreg $0xFFFFFFFF  }
0xae: {  	[dreg:$0x0] =	wrdreg $0x60  }
0xaf: {  	[dreg:$0x2] =	wrdreg s24  }
0xb0: {  	[dreg:$0x3] =	wrdreg s2  }
0xb1: {  	[dreg:$0x4] =	wrdreg s18  }
0xb2: {  	[dreg:$0x5] =	wrdreg $0x9  }
0xb3: {  	_ =	task.clear_ibuf [dreg:s8], $0x6FFFF;
	_ =	strace $0x9000004C  }
0xb4: {  	s29 =	simm.s32 $0x9;
	_ =	strace $0x8000004E  }
0xb5: {  	_ =	swait.ge [sflag:s29], $0x1  }
0xb6: {  	[sflag:s29] =	ssyncadd.s32 $0xFFFFFFFF  }
0xb7: {  	_ =	strace $0x9000004E  }
0xb8: {  	_ =	sfence  }
0xb9: {  	s30 =	sld [smem:$0x0];
	_ =	sdelay $0x2  }
0xba: {  	s31 =	sshll.u32 s1, $0xD;
	s1 =	sshrl.u32 s1, $0x2  }
0xbb: {  	s3 =	sand.u32 $0x4000, s31;
	s1 =	sadd.s32 s1, s30  }
0xbc: {  	s0 =	sor.u32 s3, s0;
	s1 =	sshll.u32 s1, $0x11  }
0xbd: {  	s0 =	sor.u32 s1, s0  }
0xbe: {  	s0 =	sadd.s32 $0x8F2B, s0  }
0xbf: {  	[sflag:s0] =	ssyncadd.remote.s32 $0x1  }
0xc0: {  	_ =	sfence.sel $0xFFFF  }
0xc1: {  	[dreg:$0x0] =	wrdreg $0xFFFFFFFF;
	(pc) =	sbr.abs _section_cstart, $3  }
0xc2: {  	[dreg:$0x1] =	wrdreg $0xFFFFFFFF  }
0xc3: {  	_ =	task.clear_ibuf [dreg:s8], $0x2FFFF;
	_ =	strace $0x9FFFFFFF  }
0xc4: {  	(tm) =	ssettm $0x7FFFFFFF  }
0xc5: {  	_ =	shalt  }
tec
execute0_lowered:
.L_overlay_start_1:
0x0: {  	(tag) =	ssettag $0x1  }
0x1: {  	s5 =	rddreg [dreg:$0x0]  }
0x2: {  	s1 =	srdreg.scid;
	s3 =	rddreg [dreg:$0x1]  }
0x3: {  	s0 =	stileid.u32;
	s9 =	rddreg [dreg:$0x2];
	s6 =	sand.u32 $0x1, s1  }
0x4: {  	s2 =	simm.s32 $0x0;
	s4 =	sshll.u32 s0, $0x6;
	s7 =	sshll.u32 s6, $0x5  }
0x5: {  	s8 =	simm.s32 $0x1;
	[smem:$0x7FF] =	sst s2;
	s10 =	sor.u32 s7, s4  }
0x6: {  	s1 =	rddreg [dreg:$0x3];
	_ =	strace $0x8000004D;
	s4 =	sshrl.u32 s10, $0x3  }
0x7: {  	s11 =	ssub.s32 $0x2, s6;
	s4 =	sadd.s32 s3, s4;
	s3 =	simm.s32 $0x2  }
0x8: {  	[tilespmem:s2], [sflag:$0x2] =	stream.linear.gather [hbm4b:s4+s2], $0x20, $0x38;
	[tilespmem:$0x1080] =	vst v63  }
0x9: {  	s5 =	sadd.s32 $0x3600, s5;
	s12 =	sshrl.u32 s11, $0x1;
	_ =	swait.ge [sflag:s3], $0x20  }
0xa: {  	s6 =	simm.s32 $0x20;
	s11 =	ssub.s32 s11, s12;
	[sflag:s3] =	ssyncset.done $0x0  }
0xb: {  	s7 =	simm.s32 $0x80;
	s31 =	smax.u32 s11, $0x1;
	[sflag:s3] =	ssyncadd.s32 $0xFFFFFFE0  }
0xc: {  	[tilespmem:s7], [sflag:$0x1] =	stream.indirect.gather [hbm4b:s5+s6], $0x80, s2, s6, $0xb8;
	[tilespmem:$0x1080] =	vst v63  }
0xd: {  	p0 =	sne.s32 s31, $0x1;
	_ =	swait.ge [sflag:s8], $0x1000  }
.Ltmp0:
0xe: {  	s10 =	sshll.u32 s10, $0x4;
	[sflag:s8] =	ssyncset.done $0x0;
	(pc) =	sbr.rel @!p0 .LBB2_2-.Ltmp0, $4  }
0xf: {  	s9 =	sadd.s32 s9, s10;
	[sflag:s8] =	ssyncadd.s32 $0xFFFFF000  }
0x10: {  	[hbm4b:s9+s2] =	stream.linear.scatter [tilespmem:s7], [sflag:$0x2], $0x1000, $0x38;
	[tilespmem:$0x1080] =	vst v63  }
0x11: {  	_ =	swait.ge [sflag:s3], $0x1000  }
0x12: {  	s10 =	sadd.s32 $0xFFFFFFFF, s31;
	[sflag:s3] =	ssyncset.done $0x0  }
.LBB2_1:
0x13: {  	p0 =	sne.s32 s10, $0x1;
	s10 =	sadd.s32 $0xFFFFFFFF, s10;
	[sflag:s3] =	ssyncadd.s32 $0xFFFFF000  }
0x14: {  	[tilespmem:s2], [sflag:$0x2] =	stream.linear.gather [hbm4b:s4+s2], $0x20, $0x38;
	[tilespmem:$0x1080] =	vst v63  }
0x15: {  	_ =	swait.ge [sflag:s3], $0x20  }
0x16: {  	[sflag:s3] =	ssyncset.done $0x0  }
0x17: {  	[sflag:s3] =	ssyncadd.s32 $0xFFFFFFE0  }
0x18: {  	[tilespmem:s7], [sflag:$0x1] =	stream.indirect.gather [hbm4b:s5+s6], $0x80, s2, s6, $0xb8;
	[tilespmem:$0x1080] =	vst v63  }
0x19: {  	_ =	swait.ge [sflag:s8], $0x1000  }
.Ltmp1:
0x1a: {  	[sflag:s8] =	ssyncset.done $0x0;
	(pc) =	sbr.rel @p0 .LBB2_1-.Ltmp1, $4  }
0x1b: {  	[sflag:s8] =	ssyncadd.s32 $0xFFFFF000  }
0x1c: {  	[hbm4b:s9+s2] =	stream.linear.scatter [tilespmem:s7], [sflag:$0x2], $0x1000, $0x38;
	[tilespmem:$0x1080] =	vst v63  }
0x1d: {  	_ =	swait.ge [sflag:s3], $0x1000  }
0x1e: {  	[sflag:s3] =	ssyncset.done $0x0  }
.LBB2_2:
0x1f: {  	[sflag:s3] =	ssyncadd.s32 $0xFFFFF000  }
0x20: {  	_ =	sfence.sel $0x180000  }
0x21: {  	[bflag:$0x0] =	sbarrier.arrive $0xFFFF  }
0x22: {  	p0 =	sne.s32 s0, $0x0;
	_ =	strace $0x9000004D  }
0x23: {  	s0 =	sadd.s32 @!p0 $0x100000, s1;
	[bflag:$0x2] =	sbarrier.arrive $0xFFFF  }
0x24: {  	[sflag:s0] =	ssyncadd.tile.s32 @!p0 $0x1;
	_ =	shalt  }
.Lfunc_end2:
_tile_overlayer_lowered:
.L_overlay_start_2:
0x25: {  	(tag) =	ssettag $0x2  }
0x26: {  	s0 =	rddreg [dreg:$0x0];
	s2 =	stileid.u32  }
0x27: {  	s1 =	rddreg [dreg:$0x1];
	p0 =	sne.s32 s2, $0x0  }
0x28: {  	s3 =	rddreg [dreg:$0x2];
	[bflag:$0x3] =	sbarrier.arrive $0xFFFF;
	s2 =	simm.s32 @!p0 $0x1C02  }
0x29: {  	[timem:s3], [sflag:s2] =	dma.local @!p0 [hbm:s0], s1  }
0x2a: {  	s0 =	simm.s32 @!p0 $0x2  }
0x2b: {  	_ =	swait.ge @!p0 [sflag:s0], s1  }
0x2c: {  	s1 =	ssub.s32 @!p0 $0x0, s1;
	[sflag:s0] =	ssyncset.done @!p0 $0x0  }
0x2d: {  	[sflag:s0] =	ssyncadd.s32 @!p0 s1  }
0x2e: {  	[bflag:$0x3] =	sbarrier.arrive $0xFFFF  }
0x2f: {  	_ =	shalt  }

// kernel: kernel.7.cloned.1.call-start
scs
__scs_entry_jumppad:
0x0: {  	(pc) =	sbr.rel $0x88, $3  }
0x1: {  	(tag) =	ssettag $0x0;
	lr =	simm.s32 $0x1  }
0x2: {  	[smem:$0x3F96] =	sst lr;
	_ =	strace $0xD0000000  }
0x3: {  	_ = 	snop  }
0x4: {  	_ = 	snop  }
0x5: {  	_ = 	snop  }
0x6: {  	_ = 	snop  }
0x7: {  	_ = 	snop  }
__scs_overlays_trampoline_lowered:
0x8: {  	[smem:$0x3FA5] =	sst s0  }
0x9: {  	[smem:$0x3FA6] =	sst s1  }
0xa: {  	[smem:$0x3FA7] =	sst s2  }
0xb: {  	[smem:$0x3FA8] =	sst s3  }
0xc: {  	[smem:$0x3FA9] =	sst s4  }
0xd: {  	[smem:$0x3FAA] =	sst s5  }
0xe: {  	[smem:$0x3FAB] =	sst s6  }
0xf: {  	[smem:$0x3FAC] =	sst s7  }
0x10: {  	[smem:$0x3FAD] =	sst s8  }
0x11: {  	[smem:$0x3FAE] =	sst s9;
	s0 =	simm.s32 @!p0 $0x0  }
0x12: {  	s1 =	sld [smem:$0x3F94];
	s0 =	simm.s32 @p0 $0x1  }
0x13: {  	[smem:$0x3FAF] =	sst s0;
	s0 =	simm.s32 @!p1 $0x0  }
0x14: {  	s2 =	sld [smem:$0x3F93];
	s0 =	simm.s32 @p1 $0x1  }
0x15: {  	[smem:$0x3FB0] =	sst s0;
	s0 =	simm.s32 @!p2 $0x0  }
0x16: {  	s3 =	sld [smem:$0x3FDB];
	s0 =	simm.s32 @p2 $0x1  }
0x17: {  	s4 =	simm.s32 $0x1BF5;
	[smem:$0x3FB2] =	sst s0  }
0x18: {  	s0 =	sld [smem:$0x3F95];
	_ =	swait.ge [sflag:s4], $0x0  }
0x19: {  	s7 =	sld [smem:$0x3F96]  }
0x1a: {  	s8 =	sadd.s32 $0xFFFFE003, lr  }
0x1b: {  	s9 =	sadd.s32 $0xFFFFFEF7, lr;
	s5 =	simm.s32 $0xFFFFFFFF;
	p2 =	slt.u32 s8, $0xFFFFF086  }
0x1c: {  	p1 =	slt.u32 s9, $0xF7A;
	s5 =	simm.s32 @!p2 $0x0  }
0x1d: {  	s5 =	simm.s32 @p1 $0x1;
	p0 =	seq.s32 s7, s2  }
0x1e: {  	s7 =	smul.u32 @!p0 $0xF7A, s2;
	p2 =	seq.s32 @!p0 s5, $0x0  }
0x1f: {  	s9 =	smul.u32 $0xF7A, s1;
	s8 =	simm.s32 @!p0 $0x1BF5;
	p2 =	por !p2, p0  }
0x20: {  	[sflag:s8] =	ssyncset.s32 @!p0 $0xFFFFF086;
	s6 =	sadd.s32 @!p0 s3, s7;
	s7 =	simm.s32 @!p0 $0x108  }
0x21: {  	s3 =	sadd.s32 s3, s9;
	s6 =	sadd.s32 @!p0 $0x88, s6;
	s7 =	simm.s32 @p2 $0x1082  }
0x22: {  	[simem:s7], [sflag:s8] =	dma.local @!p0 [hbm:s6], $0xF7A  }
0x23: {  	s9 =	sor.u32 $0xD0000000, s2;
	s6 =	simm.s32 $0x108;
	_ =	swait.ge @!p0 [sflag:s8], $0x0  }
0x24: {  	s3 =	sadd.s32 $0x88, s3;
	s6 =	simm.s32 @!p1 $0x1082;
	[sflag:s4] =	ssyncset.s32 $0xFFFFF086  }
0x25: {  	[simem:s6], [sflag:s4] =	dma.local [hbm:s3], $0xF7A  }
0x26: {  	[smem:$0x3F96] =	sst s1;
	(tag) =	ssettag s2;
	_ =	strace s9  }
0x27: {  	s1 =	sld [smem:$0x3FA6]  }
0x28: {  	s2 =	sld [smem:$0x3FA7]  }
0x29: {  	s4 =	sld [smem:$0x3FA9]  }
0x2a: {  	p0 =	seq.s32 s5, $0x0;
	s5 =	sld [smem:$0x3FAA]  }
0x2b: {  	s6 =	sld [smem:$0x3FAB]  }
0x2c: {  	s7 =	sld [smem:$0x3FAC]  }
0x2d: {  	s3 =	simm.s32 $0x108;
	s8 =	sld [smem:$0x3FAD]  }
0x2e: {  	s3 =	simm.s32 @!p0 $0x1082;
	s9 =	sld [smem:$0x3FAE]  }
0x2f: {  	lr =	sadd.s32 s0, s3;
	s0 =	sld [smem:$0x3FA5]  }
0x30: {  	s3 =	sld [smem:$0x3FA8]  }
0x31: {  	[smem:$0x3FB1] =	sst s10  }
0x32: {  	s10 =	sld [smem:$0x3FAF];
	_ =	sdelay $0x3  }
0x33: {  	p0 =	seq.s32 s10, $0x1;
	s10 =	sld [smem:$0x3FB1];
	_ =	sdelay $0x3  }
0x34: {  	[smem:$0x3FB1] =	sst s10  }
0x35: {  	s10 =	sld [smem:$0x3FB0];
	_ =	sdelay $0x3  }
0x36: {  	p1 =	seq.s32 s10, $0x1;
	s10 =	sld [smem:$0x3FB1];
	_ =	sdelay $0x3  }
0x37: {  	[smem:$0x3FB1] =	sst s10  }
0x38: {  	s10 =	sld [smem:$0x3FB2]  }
0x39: {  	_ = 	snop;
	(pc) =	sbr.ind lr, $3  }
0x3a: {  	_ = 	snop  }
0x3b: {  	_ = 	snop  }
0x3c: {  	p2 =	seq.s32 s10, $0x1;
	s10 =	sld [smem:$0x3FB1]  }
0x3d: {  	_ =	shalt  }
0x3e: {  	_ =	shalt  }
0x3f: {  	_ =	shalt  }
0x40: {  	_ =	shalt  }
0x41: {  	_ =	shalt  }
0x42: {  	_ =	shalt  }
0x43: {  	_ =	shalt  }
0x44: {  	_ =	shalt  }
0x45: {  	_ =	shalt  }
0x46: {  	_ =	shalt  }
0x47: {  	_ =	shalt  }
0x48: {  	_ =	shalt  }
0x49: {  	_ =	shalt  }
0x4a: {  	_ =	shalt  }
0x4b: {  	_ =	shalt  }
0x4c: {  	_ =	shalt  }
0x4d: {  	_ =	shalt  }
0x4e: {  	_ =	shalt  }
0x4f: {  	_ =	shalt  }
0x50: {  	_ =	shalt  }
0x51: {  	_ =	shalt  }
0x52: {  	_ =	shalt  }
0x53: {  	_ =	shalt  }
0x54: {  	_ =	shalt  }
0x55: {  	_ =	shalt  }
0x56: {  	_ =	shalt  }
0x57: {  	_ =	shalt  }
0x58: {  	_ =	shalt  }
0x59: {  	_ =	shalt  }
0x5a: {  	_ =	shalt  }
0x5b: {  	_ =	shalt  }
0x5c: {  	_ =	shalt  }
0x5d: {  	_ =	shalt  }
0x5e: {  	_ =	shalt  }
0x5f: {  	_ =	shalt  }
0x60: {  	_ =	shalt  }
0x61: {  	_ =	shalt  }
0x62: {  	_ =	shalt  }
0x63: {  	_ =	shalt  }
0x64: {  	_ =	shalt  }
0x65: {  	_ =	shalt  }
0x66: {  	_ =	shalt  }
0x67: {  	_ =	shalt  }
0x68: {  	_ =	shalt  }
0x69: {  	_ =	shalt  }
0x6a: {  	_ =	shalt  }
0x6b: {  	_ =	shalt  }
0x6c: {  	_ =	shalt  }
0x6d: {  	_ =	shalt  }
0x6e: {  	_ =	shalt  }
0x6f: {  	_ =	shalt  }
0x70: {  	_ =	shalt  }
0x71: {  	_ =	shalt  }
0x72: {  	_ =	shalt  }
0x73: {  	_ =	shalt  }
0x74: {  	_ =	shalt  }
0x75: {  	_ =	shalt  }
0x76: {  	_ =	shalt  }
0x77: {  	_ =	shalt  }
0x78: {  	_ =	shalt  }
0x79: {  	_ =	shalt  }
0x7a: {  	_ =	shalt  }
0x7b: {  	_ =	shalt  }
0x7c: {  	_ =	shalt  }
0x7d: {  	_ =	shalt  }
0x7e: {  	_ =	shalt  }
0x7f: {  	_ =	shalt  }
0x80: {  	_ =	shalt  }
0x81: {  	_ =	shalt  }
0x82: {  	_ =	shalt  }
0x83: {  	_ =	shalt  }
0x84: {  	_ =	shalt  }
0x85: {  	_ =	shalt  }
0x86: {  	_ =	shalt  }
0x87: {  	_ =	shalt  }
.Lfunc_end0:
.L_simem_size_0:
called_computation_lowered:
.L_overlay_start_0:
0x88: {  	s2 =	sld [smem:$0x3FD9]  }
0x89: {  	s3 =	sld [smem:$0x3FFE];
	_ =	sdelay $0x1  }
0x8a: {  	s1 =	srdreg.scid  }
0x8b: {  	s0 =	sand.u32 $0x1, s1  }
0x8c: {  	s17 =	sshll.u32 s0, $0xA;
	s2 =	sadd.s32 s3, s2  }
0x8d: {  	s2 =	sadd.s32 s2, s17  }
0x8e: {  	[smem:$0x3FBD] =	sst s2  }
0x8f: {  	_ = 	snop  }
0x90: {  	s2 =	sld [smem:$0x3FD0];
	(tm) =	ssettm $0x1  }
0x91: {  	s18 =	sld [smem:$0x3FFB];
	_ =	sdelay $0x3  }
0x92: {  	_ =	strace s18  }
0x93: {  	s3 =	sld [smem:$0x3FFC];
	_ =	sdelay $0x3  }
0x94: {  	_ =	strace s3  }
0x95: {  	s3 =	sld [smem:$0x3FFD];
	_ =	sdelay $0x3  }
0x96: {  	_ =	strace s3  }
0x97: {  	_ =	strace $0x8FFFFFFF  }
0x98: {  	s19 =	sld [smem:$0x3FDB];
	_ =	sdelay $0x1  }
0x99: {  	s4 =	simm.s32 $_scs_section_size  }
0x9a: {  	s5 =	simm.s32 $_size__tile_overlayer_lowered;
	s6 =	simm.s32 $_tile_overlayer_lowered  }
0x9b: {  	s22 =	simm.s32 $0x1BFF;
	s21 =	sshll.u32 s6, $0x1;
	s3 =	sadd.s32 s4, s19  }
0x9c: {  	s7 =	simm.s32 $0x0;
	s20 =	sshll.u32 s5, $0x1;
	s5 =	sadd.s32 s21, s3  }
0x9d: {  	[timem:s7], [sflag:s22] =	dma.local [hbm:s5], s20  }
0x9e: {  	_ =	swait.ge [sflag:s22], s20  }
0x9f: {  	s4 =	ssub.s32 $0x0, s20;
	[sflag:s22] =	ssyncset.done $0x0  }
0xa0: {  	[sflag:s22] =	ssyncadd.s32 s4;
	_ =	sdelay $0x1  }
0xa1: {  	s23 =	simm.s32 $0x1B8B  }
0xa2: {  	_ =	swait.ge [sflag:s23], $0x1  }
0xa3: {  	[sflag:s23] =	ssyncset.done $0x0  }
0xa4: {  	s25 =	simm.s32 $0x1B8E;
	s24 =	sld [smem:$0x3FFE];
	[sflag:s23] =	ssyncadd.s32 $0xFFFFFFFF  }
0xa5: {  	s26 =	simm.s32 $execute0_lowered;
	[smem:$0x3FD2] =	sst s25  }
0xa6: {  	s5 =	sshll.u32 s26, $0x1;
	_ =	strace $0x80000046;
	[dreg:$0x1] =	wrdreg $0xFFFFFFFF  }
0xa7: {  	s28 =	simm.s32 $_size_execute0_lowered;
	s3 =	sadd.s32 s3, s5;
	[dreg:$0x0] =	wrdreg $0x0  }
0xa8: {  	s5 =	sshll.u32 s28, $0x1;
	[dreg:$0x2] =	wrdreg s3  }
0xa9: {  	[dreg:$0x3] =	wrdreg s5  }
0xaa: {  	[dreg:$0x4] =	wrdreg $0xC0  }
0xab: {  	_ =	task [dreg:s7], $0x5FFFF  }
0xac: {  	[dreg:$0x1] =	wrdreg $0xFFFFFFFF  }
0xad: {  	[dreg:$0x0] =	wrdreg $0x60  }
0xae: {  	[dreg:$0x2] =	wrdreg s24  }
0xaf: {  	[dreg:$0x3] =	wrdreg s2  }
0xb0: {  	[dreg:$0x4] =	wrdreg $0x69000  }
0xb1: {  	[dreg:$0x5] =	wrdreg $0x9  }
0xb2: {  	_ =	task.clear_ibuf [dreg:s7], $0x6FFFF;
	_ =	strace $0x90000046  }
0xb3: {  	s29 =	simm.s32 $0x9;
	_ =	strace $0x80000048  }
0xb4: {  	_ =	swait.ge [sflag:s29], $0x1  }
0xb5: {  	[sflag:s29] =	ssyncadd.s32 $0xFFFFFFFF  }
0xb6: {  	_ =	strace $0x90000048  }
0xb7: {  	_ =	sfence  }
0xb8: {  	s30 =	sld [smem:$0x0];
	_ =	sdelay $0x2  }
0xb9: {  	s31 =	sshll.u32 s1, $0xD;
	s1 =	sshrl.u32 s1, $0x2  }
0xba: {  	s3 =	sand.u32 $0x4000, s31;
	s1 =	sadd.s32 s1, s30  }
0xbb: {  	s0 =	sor.u32 s3, s0;
	s1 =	sshll.u32 s1, $0x11  }
0xbc: {  	s0 =	sor.u32 s1, s0  }
0xbd: {  	s0 =	sadd.s32 $0x8F2B, s0  }
0xbe: {  	[sflag:s0] =	ssyncadd.remote.s32 $0x1  }
0xbf: {  	_ =	sfence.sel $0xFFFF  }
0xc0: {  	[dreg:$0x0] =	wrdreg $0xFFFFFFFF;
	(pc) =	sbr.abs _section_cstart, $3  }
0xc1: {  	[dreg:$0x1] =	wrdreg $0xFFFFFFFF  }
0xc2: {  	_ =	task.clear_ibuf [dreg:s7], $0x2FFFF;
	_ =	strace $0x9FFFFFFF  }
0xc3: {  	(tm) =	ssettm $0x7FFFFFFF  }
tec
execute0_lowered:
.L_overlay_start_1:
0x0: {  	(tag) =	ssettag $0x1  }
0x1: {  	s8 =	rddreg [dreg:$0x0]  }
0x2: {  	s1 =	rddreg [dreg:$0x1]  }
0x3: {  	s2 =	rddreg [dreg:$0x2]  }
0x4: {  	s0 =	rddreg [dreg:$0x3];
	s3 =	simm.s32 $0x0  }
0x5: {  	s4 =	stileid.u32;
	s7 =	srdreg.scid;
	s19 =	simm.s32 $0x1  }
0x6: {  	s20 =	simm.s32 $0x400;
	s21 =	simm.s32 $0x0;
	[smem:$0x7FF] =	sst s3  }
0x7: {  	s5 =	sadd.s32 $0x3600, s8;
	s6 =	sadd.s32 $0xD600, s8;
	s9 =	smul.u32 $0x14000, s4  }
0x8: {  	s10 =	sand.u32 $0x1, s7;
	s23 =	sshll.u32 s4, $0x1;
	s13 =	sshrl.u32 s4, $0x2  }
0x9: {  	s7 =	sadd.s32 $0x17600, s8;
	s26 =	smul.u32 $0x50000, s4;
	s31 =	sshll.u32 s4, $0x6  }
0xa: {  	_ =	strace $0x80000047;
	s11 =	smul.u32 $0x140000, s10;
	s12 =	sor.u32 s10, s23  }
0xb: {  	s13 =	smul.u32 $0x14000, s13;
	s10 =	ssub.s32 $0x2, s10;
	s14 =	sshll.u32 s12, $0x7  }
0xc: {  	s15 =	sshrl.u32 s9, $0x3;
	s29 =	sshrl.u32 s10, $0x1;
	s30 =	sshrl.u32 s26, $0x2  }
0xd: {  	s9 =	sadd.s32 s9, s11;
	s24 =	sand.u32 $0x380, s14;
	s25 =	sadd.s32 s15, s8  }
0xe: {  	s17 =	ssub.s32 s10, s29;
	s18 =	sadd.s32 s30, s2;
	s10 =	smul.u32 $0x2800, s12  }
0xf: {  	s15 =	simm.s32 $0x2;
	s9 =	sshrl.u32 s9, $0x3;
	s11 =	sor.u32 s13, s24  }
0x10: {  	s13 =	smax.u32 s17, $0x1;
	s14 =	sshrl.u32 s18, $0x3;
	s17 =	simm.s32 $0x80  }
0x11: {  	s18 =	simm.s32 $0x100;
	s11 =	sshrl.u32 s11, $0x3;
	s28 =	sadd.s32 s9, s8  }
0x12: {  	s9 =	sor.u32 $0x1C02, s31;
	s16 =	sadd.s32 s11, s8;
	s8 =	sadd.s32 $0x3F600, s25  }
0x13: {  	v0 =	vimm.f32 $1.000000000e+00;
	s11 =	sadd.s32 $0x67600, s28;
	s12 =	sadd.s32 $0xB7600, s16;
	s16 =	simm.s32 $0x4100  }
.LBB2_1:
0x14: {  	[spmem:s14], [sflag:s9] =	dma.local [hbm:s8], $0x2800  }
0x15: {  	_ =	swait.ge [sflag:s15], $0x2800  }
0x16: {  	[sflag:s15] =	ssyncset.done $0x0  }
0x17: {  	[sflag:s15] =	ssyncadd.s32 $0xFFFFD800  }
0x18: {  	[tilespmem:s16], [sflag:$0x2] =	stream.linear.gather [hbm4b:s1+s3], $0x2800, $0x38;
	[tilespmem:$0x1A900] =	vst v63  }
0x19: {  	_ =	swait.ge [sflag:s15], $0x2800  }
0x1a: {  	[sflag:s15] =	ssyncset.done $0x0  }
0x1b: {  	[sflag:s15] =	ssyncadd.s32 $0xFFFFD800  }
0x1c: {  	s22 =	simm.s32 $0x0;
	[bflag:$0x0] =	sbarrier.arrive $0xFFFF  }
.LBB2_2:
0x1d: {  	s23 =	sand.u32 $0x3C00, s22  }
0x1e: {  	s24 =	sand.u32 $0x380, s22;
	s23 =	sadd.s32 s10, s23  }
0x1f: {  	s23 =	sor.u32 s24, s23  }
0x20: {  	s23 =	sshrl.u32 s23, $0x3  }
0x21: {  	s31 =	sadd.s32 s5, s23  }
0x22: {  	[tilespmem:s3], [sflag:$0x2] =	stream.linear.gather [hbm4b:s31+s3], $0x80, $0x38;
	[tilespmem:$0x1A900] =	vst v63  }
0x23: {  	_ =	swait.ge [sflag:s15], $0x80  }
0x24: {  	[sflag:s15] =	ssyncset.done $0x0  }
0x25: {  	s23 =	sadd.s32 s6, s23;
	[sflag:s15] =	ssyncadd.s32 $0xFFFFFF80  }
0x26: {  	[tilespmem:s17], [sflag:$0x2] =	stream.linear.gather [hbm4b:s23+s3], $0x80, $0x38;
	[tilespmem:$0x1A900] =	vst v63  }
0x27: {  	_ =	swait.ge [sflag:s15], $0x80  }
0x28: {  	[sflag:s15] =	ssyncset.done $0x0  }
0x29: {  	[sflag:s15] =	ssyncadd.s32 $0xFFFFFF80  }
0x2a: {  	[tilespmem:s18], [sflag:$0x1] =	stream.indirect.gather [hbm4b:s7+s17], $0x80, s3, s17, $0xb8;
	[tilespmem:$0x1A900] =	vst v63  }
0x2b: {  	_ =	swait.ge [sflag:s19], $0x4000  }
0x2c: {  	[sflag:s19] =	ssyncset.done $0x0  }
0x2d: {  	[sflag:s19] =	ssyncadd.s32 $0xFFFFC000  }
0x2e: {  	[spmem:s2] =	stream.indirect.scatter.add.f32 [tilespmem:s18], [sflag:$0x2], $0x80, s17, s17, $0xb8;
	[tilespmem:$0x1A900] =	vst v63  }
0x2f: {  	_ =	swait.ge [sflag:s15], $0x4000  }
0x30: {  	[sflag:s15] =	ssyncset.done $0x0  }
0x31: {  	[sflag:s15] =	ssyncadd.s32 $0xFFFFC000  }
0x32: {  	v1 =	vld [tilespmem:$0x80];
	_ =	sdelay $0x7  }
0x33: {  	[tilespmem:v1+s16+$0x0] =	vst.idx.add.f32.msk $0xffff, v0  }
0x34: {  	v1 =	vld [tilespmem:$0x90];
	_ =	sdelay $0x7  }
0x35: {  	[tilespmem:v1+s16+$0x0] =	vst.idx.add.f32.msk $0xffff, v0  }
0x36: {  	v1 =	vld [tilespmem:$0xA0];
	_ =	sdelay $0x7  }
0x37: {  	[tilespmem:v1+s16+$0x0] =	vst.idx.add.f32.msk $0xffff, v0  }
0x38: {  	v1 =	vld [tilespmem:$0xB0];
	_ =	sdelay $0x7  }
0x39: {  	[tilespmem:v1+s16+$0x0] =	vst.idx.add.f32.msk $0xffff, v0  }
0x3a: {  	v1 =	vld [tilespmem:$0xC0];
	_ =	sdelay $0x7  }
0x3b: {  	[tilespmem:v1+s16+$0x0] =	vst.idx.add.f32.msk $0xffff, v0  }
0x3c: {  	v1 =	vld [tilespmem:$0xD0];
	_ =	sdelay $0x7  }
0x3d: {  	[tilespmem:v1+s16+$0x0] =	vst.idx.add.f32.msk $0xffff, v0  }
0x3e: {  	v1 =	vld [tilespmem:$0xE0];
	_ =	sdelay $0x7  }
0x3f: {  	[tilespmem:v1+s16+$0x0] =	vst.idx.add.f32.msk $0xffff, v0  }
0x40: {  	v1 =	vld [tilespmem:$0xF0];
	_ =	sdelay $0x2  }
0x41: {  	p0 =	sne.s32 s22, $0x2700  }
.Ltmp0:
0x42: {  	_ = 	snop;
	(pc) =	sbr.rel @p0 .LBB2_2-.Ltmp0, $2  }
0x43: {  	_ =	sdelay $0x2  }
0x44: {  	s22 =	sadd.s32 $0x80, s22;
	[tilespmem:v1+s16+$0x0] =	vst.idx.add.f32.msk $0xffff, v0  }
0x45: {  	[bflag:$0x0] =	sbarrier.arrive $0xFFFF  }
0x46: {  	[hbm:s11], [sflag:s9] =	dma.local [spmem:s14], $0x2800  }
0x47: {  	s21 =	sadd.s32 $0x1, s21;
	_ =	swait.ge [sflag:s15], $0x2800  }
0x48: {  	p0 =	sne.s32 s21, s13;
	[sflag:s15] =	ssyncset.done $0x0  }
.Ltmp1:
0x49: {  	[sflag:s15] =	ssyncadd.s32 $0xFFFFD800;
	(pc) =	sbr.rel @p0 .LBB2_1-.Ltmp1, $4  }
0x4a: {  	[hbm4b:s12+s17] =	stream.strided.scatter [tilespmem:s16], [sflag:$0x2], $0x2800, s20, s17, $0x38;
	[tilespmem:$0x1A900] =	vst v63  }
0x4b: {  	_ =	swait.ge [sflag:s15], $0x2800  }
0x4c: {  	[sflag:s15] =	ssyncset.done $0x0  }
0x4d: {  	[sflag:s15] =	ssyncadd.s32 $0xFFFFD800  }
0x4e: {  	_ =	sfence.sel $0x180000  }
0x4f: {  	[bflag:$0x0] =	sbarrier.arrive $0xFFFF  }
0x50: {  	p0 =	sne.s32 s4, $0x0;
	_ =	strace $0x90000047  }
0x51: {  	s0 =	sadd.s32 @!p0 $0x100000, s0;
	[bflag:$0x2] =	sbarrier.arrive $0xFFFF  }
0x52: {  	[sflag:s0] =	ssyncadd.tile.s32 @!p0 $0x1;
	_ =	shalt  }
.Lfunc_end2:
_tile_overlayer_lowered:
.L_overlay_start_2:
0x53: {  	(tag) =	ssettag $0x2  }
0x54: {  	s0 =	rddreg [dreg:$0x0];
	s2 =	stileid.u32  }
0x55: {  	s1 =	rddreg [dreg:$0x1];
	p0 =	sne.s32 s2, $0x0  }
0x56: {  	s3 =	rddreg [dreg:$0x2];
	[bflag:$0x3] =	sbarrier.arrive $0xFFFF;
	s2 =	simm.s32 @!p0 $0x1C02  }
0x57: {  	[timem:s3], [sflag:s2] =	dma.local @!p0 [hbm:s0], s1  }
0x58: {  	s0 =	simm.s32 @!p0 $0x2  }
0x59: {  	_ =	swait.ge @!p0 [sflag:s0], s1  }
0x5a: {  	s1 =	ssub.s32 @!p0 $0x0, s1;
	[sflag:s0] =	ssyncset.done @!p0 $0x0  }
0x5b: {  	[sflag:s0] =	ssyncadd.s32 @!p0 s1  }
0x5c: {  	[bflag:$0x3] =	sbarrier.arrive $0xFFFF  }
0x5d: {  	_ =	shalt  }

</sc_bundles>
